<compile_context>
chip_gen: v7x
topology: tpu7x:2x2x1
jax: 0.10.2.dev20260603
libtpu: 0.0.44.dev20260713+nightly
codegen_flags: <defaults>
</compile_context>

<pallas_src>
import jax
import jax.numpy as jnp
from jax import lax
from jax.experimental import pallas as pl
from jax.experimental.pallas import tpu as pltpu
from jax.experimental.pallas import tpu_sc as plsc

VOCAB = 1000000
EMBED_DIM = 64
BATCH = 4096
SEQ_LEN = 200

NC = 2
NS = 16
NW = NC * NS

N = BATCH * SEQ_LEN
NB = N // NW
C = 256
GC = NB // C
K = 3
KP = 2
NBUF = K + KP
assert (GC - K - KP) % NBUF == 0


def _emb_body(table_hbm, text_hbm, out_hbm, idx_v, *rest):
    rows = rest[:NBUF]
    gsems = rest[NBUF:2 * NBUF]
    wsems = rest[2 * NBUF:]

    wid = lax.axis_index("s") * NC + lax.axis_index("c")

    pltpu.sync_copy(text_hbm.at[wid], idx_v)

    def idx_slice(g):
        return idx_v.at[pl.ds(g * C, C)]

    def start_gather(g, b):
        pltpu.async_copy(table_hbm.at[idx_slice(g)], rows[b], gsems[b])

    def wait_gather(g, b):
        pltpu.make_async_copy(table_hbm.at[idx_slice(g)], rows[b],
                              gsems[b]).wait()

    def start_wb(g, b):
        pltpu.async_copy(rows[b], out_hbm.at[wid, g], wsems[b])

    def wait_wb(g, b):
        pltpu.make_async_copy(rows[b], out_hbm.at[wid, g], wsems[b]).wait()

    for g in range(K):
        start_gather(g, g % NBUF)
    for g in range(KP):
        wait_gather(g, g % NBUF)
        start_wb(g, g % NBUF)
        start_gather(g + K, (g + K) % NBUF)

    def group(j, _):
        for t in range(NBUF):
            g = KP + j * NBUF + t
            b = (KP + t) % NBUF
            wait_gather(g, b)
            start_wb(g, b)
            wait_wb(g - KP, (b - KP) % NBUF)
            start_gather(g + K, (b + K) % NBUF)
        return 0

    lax.fori_loop(0, (GC - K - KP) // NBUF, group, 0, unroll=False)

    for g in range(GC - K, GC):
        b = g % NBUF
        wait_gather(g, b)
        start_wb(g, b)
        wait_wb(g - KP, (g - KP) % NBUF)
    for g in range(GC - KP, GC):
        wait_wb(g, g % NBUF)


@jax.jit
def _embed(text_flat, table):
    mesh = plsc.VectorSubcoreMesh(core_axis_name="c", subcore_axis_name="s")
    k = pl.kernel(
        _emb_body,
        out_type=jax.ShapeDtypeStruct((NW, GC, C, EMBED_DIM), jnp.float32),
        mesh=mesh,
        scratch_types=(
            [pltpu.VMEM((NB,), jnp.int32)]
            + [pltpu.VMEM((C, EMBED_DIM), jnp.float32) for _ in range(NBUF)]
            + [pltpu.SemaphoreType.DMA for _ in range(2 * NBUF)]
        ),
        compiler_params=pltpu.CompilerParams(
            use_tc_tiling_on_sc=False,
            skip_device_barrier=True,
        ),
    )
    return k(table, text_flat)


def kernel(text, table):
    text_flat = text.reshape(NW, NB)
    out = _embed(text_flat, table)
    return out.reshape(BATCH, SEQ_LEN, EMBED_DIM)

# --- scband reference (transcript-rebuilt; emitter-appended) ---
"""Pipeline reference for scband-embedding-18056042512594 (READ-ONLY COPY).

The authoritative reference and input builder live on the scoring server;
editing this copy changes nothing except your own understanding.
"""

import jax, jax.numpy as jnp
import numpy as np

VOCAB = 1000000
EMBED_DIM = 64
BATCH = 4096
SEQ_LEN = 200
PADDING_IDX = 0


def setup_inputs(seed: int = 0) -> dict:
    key = jax.random.key(seed)
    k_idx, k_tab = jax.random.split(key)
    text = jax.random.randint(k_idx, (BATCH, SEQ_LEN), 0, VOCAB, dtype=jnp.int64 if jax.config.jax_enable_x64 else jnp.int32).astype(jnp.int32)
    table = jax.random.normal(k_tab, (VOCAB, EMBED_DIM), dtype=jnp.float32)
    # emulate padding_idx: row at padding_idx is zero (as nn.Embedding.from_pretrained with padding_idx keeps the row but zeroes its grad; here we keep the pretrained row values as-is, matching torch semantics which does NOT zero the row when loading from_pretrained)
    return {"text": text, "table": table}


def reference(text, table):
    # nn.Embedding lookup -> gather rows
    embedded = jnp.take(table, text, axis=0)  # [B, S, D]
    # dropout with p=0.0 in eval/identity -> no-op; .float() -> float32 cast
    return embedded.astype(jnp.float32)

if __name__ == "__main__":
    import jax
    _d = setup_inputs()
    print(jax.jit(kernel)(*tuple(_d.values())))

</pallas_src>

<mosaic_0001>
#map = affine_map<(d0, d1) -> (0, 0)>
#map1 = affine_map<(d0, d1) -> (0, 0, 0, 0)>
module attributes {stable_mosaic.version = 14 : i64} {
  func.func @_emb_body(%arg0: i32, %arg1: i32, %arg2: memref<1000000x64xf32, #tpu.memory_space<hbm>>, %arg3: memref<32x25600xi32, #tpu.memory_space<hbm>>, %arg4: memref<32x100x256x64xf32, #tpu.memory_space<hbm>>, %arg5: memref<25600xi32, #tpu.memory_space<vmem>>, %arg6: memref<256x64xf32, #tpu.memory_space<vmem>>, %arg7: memref<256x64xf32, #tpu.memory_space<vmem>>, %arg8: memref<256x64xf32, #tpu.memory_space<vmem>>, %arg9: memref<256x64xf32, #tpu.memory_space<vmem>>, %arg10: memref<256x64xf32, #tpu.memory_space<vmem>>, %arg11: memref<!tpu.dma_semaphore, #tpu.memory_space<semaphore_mem>>, %arg12: memref<!tpu.dma_semaphore, #tpu.memory_space<semaphore_mem>>, %arg13: memref<!tpu.dma_semaphore, #tpu.memory_space<semaphore_mem>>, %arg14: memref<!tpu.dma_semaphore, #tpu.memory_space<semaphore_mem>>, %arg15: memref<!tpu.dma_semaphore, #tpu.memory_space<semaphore_mem>>, %arg16: memref<!tpu.dma_semaphore, #tpu.memory_space<semaphore_mem>>, %arg17: memref<!tpu.dma_semaphore, #tpu.memory_space<semaphore_mem>>, %arg18: memref<!tpu.dma_semaphore, #tpu.memory_space<semaphore_mem>>, %arg19: memref<!tpu.dma_semaphore, #tpu.memory_space<semaphore_mem>>, %arg20: memref<!tpu.dma_semaphore, #tpu.memory_space<semaphore_mem>>) attributes {dimension_semantics = [#tpu.dimension_semantics<core_parallel>, #tpu.dimension_semantics<subcore_parallel>], iteration_bounds = array<i64: 2, 16>, scalar_prefetch = 0 : i64, scratch_operands = 16 : i64, tpu.core_type = #tpu.core_type<sc_vector_subcore>, window_params = [{transform_indices = #map}, {transform_indices = #map}, {transform_indices = #map1}]} {
    %mul3A = arith.constant 2 : i32
    %mul3A_0 = arith.muli %arg1, %mul3A : i32
    %add3A = arith.addi %mul3A_0, %arg0 : i32
    "tpu.region"() ({
      %run_scoped3A = tpu.sem_alloc : memref<!tpu.dma_semaphore, #tpu.memory_space<semaphore_mem>>
      %dma_start3A_145 = arith.constant 0 : i32
      %dma_start3A_146 = tpu.memref_slice %arg3[%add3A, %dma_start3A_145] : memref<32x25600xi32, #tpu.memory_space<hbm>> -> memref<1x25600xi32, #tpu.memory_space<hbm>>
      %dma_start3A_147 = tpu.memref_squeeze %dma_start3A_146 : memref<1x25600xi32, #tpu.memory_space<hbm>> -> memref<25600xi32, #tpu.memory_space<hbm>>
      %dma_start3A_148 = arith.constant 0 : i32
      %dma_start3A_149 = tpu.memref_slice %arg3[%add3A, %dma_start3A_148] : memref<32x25600xi32, #tpu.memory_space<hbm>> -> memref<1x25600xi32, #tpu.memory_space<hbm>>
      %dma_start3A_150 = tpu.memref_squeeze %dma_start3A_149 : memref<1x25600xi32, #tpu.memory_space<hbm>> -> memref<25600xi32, #tpu.memory_space<hbm>>
      tpu.enqueue_dma source(%dma_start3A_150 : memref<25600xi32, #tpu.memory_space<hbm>>) target(%arg5 : memref<25600xi32, #tpu.memory_space<vmem>>) target_semaphore(%run_scoped3A : memref<!tpu.dma_semaphore, #tpu.memory_space<semaphore_mem>>)
      %dma_wait3A_151 = arith.constant 0 : i32
      %dma_wait3A_152 = tpu.memref_slice %arg3[%add3A, %dma_wait3A_151] : memref<32x25600xi32, #tpu.memory_space<hbm>> -> memref<1x25600xi32, #tpu.memory_space<hbm>>
      %dma_wait3A_153 = tpu.memref_squeeze %dma_wait3A_152 : memref<1x25600xi32, #tpu.memory_space<hbm>> -> memref<25600xi32, #tpu.memory_space<hbm>>
      %dma_wait3A_154 = arith.constant 0 : i32
      %dma_wait3A_155 = tpu.memref_slice %arg3[%add3A, %dma_wait3A_154] : memref<32x25600xi32, #tpu.memory_space<hbm>> -> memref<1x25600xi32, #tpu.memory_space<hbm>>
      %dma_wait3A_156 = tpu.memref_squeeze %dma_wait3A_155 : memref<1x25600xi32, #tpu.memory_space<hbm>> -> memref<25600xi32, #tpu.memory_space<hbm>>
      tpu.wait_dma2 semaphore(%run_scoped3A : memref<!tpu.dma_semaphore, #tpu.memory_space<semaphore_mem>>) src(%dma_wait3A_156 : memref<25600xi32, #tpu.memory_space<hbm>>) dst(%arg5 : memref<25600xi32, #tpu.memory_space<vmem>>)
      tpu.yield
    }) : () -> ()
    %dma_start3A = arith.constant 0 : i32
    %dma_start3A_1 = tpu.memref_slice %arg5[%dma_start3A] : memref<25600xi32, #tpu.memory_space<vmem>> -> memref<256xi32, #tpu.memory_space<vmem>>
    %dma_start3A_2 = arith.constant 0 : i32
    %dma_start3A_3 = arith.constant 0 : i32
    %dma_start3A_4 = tpu.memref_slice %arg2[%dma_start3A_2, %dma_start3A_3] : memref<1000000x64xf32, #tpu.memory_space<hbm>> -> memref<1000000x64xf32, #tpu.memory_space<hbm>>
    tpu.enqueue_indirect_dma source(%dma_start3A_4 : memref<1000000x64xf32, #tpu.memory_space<hbm>>) target(%arg6 : memref<256x64xf32, #tpu.memory_space<vmem>>) offsets(%dma_start3A_1 : memref<256xi32, #tpu.memory_space<vmem>>) semaphore(%arg11 : memref<!tpu.dma_semaphore, #tpu.memory_space<semaphore_mem>>)
    %dma_start3A_5 = arith.constant 256 : i32
    %dma_start3A_6 = tpu.memref_slice %arg5[%dma_start3A_5] : memref<25600xi32, #tpu.memory_space<vmem>> -> memref<256xi32, #tpu.memory_space<vmem>>
    %dma_start3A_7 = arith.constant 0 : i32
    %dma_start3A_8 = arith.constant 0 : i32
    %dma_start3A_9 = tpu.memref_slice %arg2[%dma_start3A_7, %dma_start3A_8] : memref<1000000x64xf32, #tpu.memory_space<hbm>> -> memref<1000000x64xf32, #tpu.memory_space<hbm>>
    tpu.enqueue_indirect_dma source(%dma_start3A_9 : memref<1000000x64xf32, #tpu.memory_space<hbm>>) target(%arg7 : memref<256x64xf32, #tpu.memory_space<vmem>>) offsets(%dma_start3A_6 : memref<256xi32, #tpu.memory_space<vmem>>) semaphore(%arg12 : memref<!tpu.dma_semaphore, #tpu.memory_space<semaphore_mem>>)
    %dma_start3A_10 = arith.constant 512 : i32
    %dma_start3A_11 = tpu.memref_slice %arg5[%dma_start3A_10] : memref<25600xi32, #tpu.memory_space<vmem>> -> memref<256xi32, #tpu.memory_space<vmem>>
    %dma_start3A_12 = arith.constant 0 : i32
    %dma_start3A_13 = arith.constant 0 : i32
    %dma_start3A_14 = tpu.memref_slice %arg2[%dma_start3A_12, %dma_start3A_13] : memref<1000000x64xf32, #tpu.memory_space<hbm>> -> memref<1000000x64xf32, #tpu.memory_space<hbm>>
    tpu.enqueue_indirect_dma source(%dma_start3A_14 : memref<1000000x64xf32, #tpu.memory_space<hbm>>) target(%arg8 : memref<256x64xf32, #tpu.memory_space<vmem>>) offsets(%dma_start3A_11 : memref<256xi32, #tpu.memory_space<vmem>>) semaphore(%arg13 : memref<!tpu.dma_semaphore, #tpu.memory_space<semaphore_mem>>)
    %dma_wait3A = arith.constant 0 : i32
    %dma_wait3A_15 = tpu.memref_slice %arg5[%dma_wait3A] : memref<25600xi32, #tpu.memory_space<vmem>> -> memref<256xi32, #tpu.memory_space<vmem>>
    %dma_wait3A_16 = arith.constant 0 : i32
    %dma_wait3A_17 = arith.constant 0 : i32
    %dma_wait3A_18 = tpu.memref_slice %arg2[%dma_wait3A_16, %dma_wait3A_17] : memref<1000000x64xf32, #tpu.memory_space<hbm>> -> memref<1000000x64xf32, #tpu.memory_space<hbm>>
    tpu.wait_indirect_dma semaphore(%arg11 : memref<!tpu.dma_semaphore, #tpu.memory_space<semaphore_mem>>) src(%dma_wait3A_18 : memref<1000000x64xf32, #tpu.memory_space<hbm>>) dst(%arg6 : memref<256x64xf32, #tpu.memory_space<vmem>>)
    %dma_start3A_19 = arith.constant 0 : i32
    %dma_start3A_20 = arith.constant 0 : i32
    %dma_start3A_21 = arith.constant 0 : i32
    %dma_start3A_22 = tpu.memref_slice %arg4[%add3A, %dma_start3A_19, %dma_start3A_20, %dma_start3A_21] : memref<32x100x256x64xf32, #tpu.memory_space<hbm>> -> memref<1x1x256x64xf32, #tpu.memory_space<hbm>>
    %dma_start3A_23 = tpu.memref_squeeze %dma_start3A_22 : memref<1x1x256x64xf32, #tpu.memory_space<hbm>> -> memref<256x64xf32, #tpu.memory_space<hbm>>
    %dma_start3A_24 = arith.constant 0 : i32
    %dma_start3A_25 = arith.constant 0 : i32
    %dma_start3A_26 = tpu.memref_slice %arg4[%add3A, %dma_start3A_19, %dma_start3A_24, %dma_start3A_25] : memref<32x100x256x64xf32, #tpu.memory_space<hbm>> -> memref<1x1x256x64xf32, #tpu.memory_space<hbm>>
    %dma_start3A_27 = tpu.memref_squeeze %dma_start3A_26 : memref<1x1x256x64xf32, #tpu.memory_space<hbm>> -> memref<256x64xf32, #tpu.memory_space<hbm>>
    tpu.enqueue_dma source(%arg6 : memref<256x64xf32, #tpu.memory_space<vmem>>) target(%dma_start3A_27 : memref<256x64xf32, #tpu.memory_space<hbm>>) target_semaphore(%arg16 : memref<!tpu.dma_semaphore, #tpu.memory_space<semaphore_mem>>)
    %dma_start3A_28 = arith.constant 768 : i32
    %dma_start3A_29 = tpu.memref_slice %arg5[%dma_start3A_28] : memref<25600xi32, #tpu.memory_space<vmem>> -> memref<256xi32, #tpu.memory_space<vmem>>
    %dma_start3A_30 = arith.constant 0 : i32
    %dma_start3A_31 = arith.constant 0 : i32
    %dma_start3A_32 = tpu.memref_slice %arg2[%dma_start3A_30, %dma_start3A_31] : memref<1000000x64xf32, #tpu.memory_space<hbm>> -> memref<1000000x64xf32, #tpu.memory_space<hbm>>
    tpu.enqueue_indirect_dma source(%dma_start3A_32 : memref<1000000x64xf32, #tpu.memory_space<hbm>>) target(%arg9 : memref<256x64xf32, #tpu.memory_space<vmem>>) offsets(%dma_start3A_29 : memref<256xi32, #tpu.memory_space<vmem>>) semaphore(%arg14 : memref<!tpu.dma_semaphore, #tpu.memory_space<semaphore_mem>>)
    %dma_wait3A_33 = arith.constant 256 : i32
    %dma_wait3A_34 = tpu.memref_slice %arg5[%dma_wait3A_33] : memref<25600xi32, #tpu.memory_space<vmem>> -> memref<256xi32, #tpu.memory_space<vmem>>
    %dma_wait3A_35 = arith.constant 0 : i32
    %dma_wait3A_36 = arith.constant 0 : i32
    %dma_wait3A_37 = tpu.memref_slice %arg2[%dma_wait3A_35, %dma_wait3A_36] : memref<1000000x64xf32, #tpu.memory_space<hbm>> -> memref<1000000x64xf32, #tpu.memory_space<hbm>>
    tpu.wait_indirect_dma semaphore(%arg12 : memref<!tpu.dma_semaphore, #tpu.memory_space<semaphore_mem>>) src(%dma_wait3A_37 : memref<1000000x64xf32, #tpu.memory_space<hbm>>) dst(%arg7 : memref<256x64xf32, #tpu.memory_space<vmem>>)
    %dma_start3A_38 = arith.constant 1 : i32
    %dma_start3A_39 = arith.constant 0 : i32
    %dma_start3A_40 = arith.constant 0 : i32
    %dma_start3A_41 = tpu.memref_slice %arg4[%add3A, %dma_start3A_38, %dma_start3A_39, %dma_start3A_40] : memref<32x100x256x64xf32, #tpu.memory_space<hbm>> -> memref<1x1x256x64xf32, #tpu.memory_space<hbm>>
    %dma_start3A_42 = tpu.memref_squeeze %dma_start3A_41 : memref<1x1x256x64xf32, #tpu.memory_space<hbm>> -> memref<256x64xf32, #tpu.memory_space<hbm>>
    %dma_start3A_43 = arith.constant 0 : i32
    %dma_start3A_44 = arith.constant 0 : i32
    %dma_start3A_45 = tpu.memref_slice %arg4[%add3A, %dma_start3A_38, %dma_start3A_43, %dma_start3A_44] : memref<32x100x256x64xf32, #tpu.memory_space<hbm>> -> memref<1x1x256x64xf32, #tpu.memory_space<hbm>>
    %dma_start3A_46 = tpu.memref_squeeze %dma_start3A_45 : memref<1x1x256x64xf32, #tpu.memory_space<hbm>> -> memref<256x64xf32, #tpu.memory_space<hbm>>
    tpu.enqueue_dma source(%arg7 : memref<256x64xf32, #tpu.memory_space<vmem>>) target(%dma_start3A_46 : memref<256x64xf32, #tpu.memory_space<hbm>>) target_semaphore(%arg17 : memref<!tpu.dma_semaphore, #tpu.memory_space<semaphore_mem>>)
    %dma_start3A_47 = arith.constant 1024 : i32
    %dma_start3A_48 = tpu.memref_slice %arg5[%dma_start3A_47] : memref<25600xi32, #tpu.memory_space<vmem>> -> memref<256xi32, #tpu.memory_space<vmem>>
    %dma_start3A_49 = arith.constant 0 : i32
    %dma_start3A_50 = arith.constant 0 : i32
    %dma_start3A_51 = tpu.memref_slice %arg2[%dma_start3A_49, %dma_start3A_50] : memref<1000000x64xf32, #tpu.memory_space<hbm>> -> memref<1000000x64xf32, #tpu.memory_space<hbm>>
    tpu.enqueue_indirect_dma source(%dma_start3A_51 : memref<1000000x64xf32, #tpu.memory_space<hbm>>) target(%arg10 : memref<256x64xf32, #tpu.memory_space<vmem>>) offsets(%dma_start3A_48 : memref<256xi32, #tpu.memory_space<vmem>>) semaphore(%arg15 : memref<!tpu.dma_semaphore, #tpu.memory_space<semaphore_mem>>)
    %scan3A = arith.constant 0 : i32
    %scan3A_52 = arith.constant 0 : i32
    %scan3A_53 = arith.constant 19 : i32
    %scan3A_54 = arith.addi %scan3A_52, %scan3A_53 : i32
    %scan3A_55 = arith.constant 1 : i32
    %scan3A_56 = scf.for %scan3A_145 = %scan3A_52 to %scan3A_54 step %scan3A_55 iter_args(%scan3A_146 = %scan3A) -> (i32)  : i32 {
      %mul3A_147 = arith.constant 5 : i32
      %mul3A_148 = arith.muli %scan3A_145, %mul3A_147 : i32
      %add3A_149 = arith.constant 2 : i32
      %add3A_150 = arith.addi %add3A_149, %mul3A_148 : i32
      %add3A_151 = arith.constant 0 : i32
      %add3A_152 = arith.addi %add3A_150, %add3A_151 : i32
      %mul3A_153 = arith.constant 256 : i32
      %mul3A_154 = arith.muli %add3A_152, %mul3A_153 : i32
      %dma_wait3A_155 = tpu.memref_slice %arg5[%mul3A_154] : memref<25600xi32, #tpu.memory_space<vmem>> -> memref<256xi32, #tpu.memory_space<vmem>>
      %dma_wait3A_156 = arith.constant 0 : i32
      %dma_wait3A_157 = arith.constant 0 : i32
      %dma_wait3A_158 = tpu.memref_slice %arg2[%dma_wait3A_156, %dma_wait3A_157] : memref<1000000x64xf32, #tpu.memory_space<hbm>> -> memref<1000000x64xf32, #tpu.memory_space<hbm>>
      tpu.wait_indirect_dma semaphore(%arg13 : memref<!tpu.dma_semaphore, #tpu.memory_space<semaphore_mem>>) src(%dma_wait3A_158 : memref<1000000x64xf32, #tpu.memory_space<hbm>>) dst(%arg8 : memref<256x64xf32, #tpu.memory_space<vmem>>)
      %dma_start3A_159 = arith.constant 0 : i32
      %dma_start3A_160 = arith.constant 0 : i32
      %dma_start3A_161 = tpu.memref_slice %arg4[%add3A, %add3A_152, %dma_start3A_159, %dma_start3A_160] : memref<32x100x256x64xf32, #tpu.memory_space<hbm>> -> memref<1x1x256x64xf32, #tpu.memory_space<hbm>>
      %dma_start3A_162 = tpu.memref_squeeze %dma_start3A_161 : memref<1x1x256x64xf32, #tpu.memory_space<hbm>> -> memref<256x64xf32, #tpu.memory_space<hbm>>
      %dma_start3A_163 = arith.constant 0 : i32
      %dma_start3A_164 = arith.constant 0 : i32
      %dma_start3A_165 = tpu.memref_slice %arg4[%add3A, %add3A_152, %dma_start3A_163, %dma_start3A_164] : memref<32x100x256x64xf32, #tpu.memory_space<hbm>> -> memref<1x1x256x64xf32, #tpu.memory_space<hbm>>
      %dma_start3A_166 = tpu.memref_squeeze %dma_start3A_165 : memref<1x1x256x64xf32, #tpu.memory_space<hbm>> -> memref<256x64xf32, #tpu.memory_space<hbm>>
      tpu.enqueue_dma source(%arg8 : memref<256x64xf32, #tpu.memory_space<vmem>>) target(%dma_start3A_166 : memref<256x64xf32, #tpu.memory_space<hbm>>) target_semaphore(%arg18 : memref<!tpu.dma_semaphore, #tpu.memory_space<semaphore_mem>>)
      %sub3A = arith.constant 2 : i32
      %sub3A_167 = arith.subi %add3A_152, %sub3A : i32
      %dma_wait3A_168 = arith.constant 0 : i32
      %dma_wait3A_169 = arith.constant 0 : i32
      %dma_wait3A_170 = tpu.memref_slice %arg4[%add3A, %sub3A_167, %dma_wait3A_168, %dma_wait3A_169] : memref<32x100x256x64xf32, #tpu.memory_space<hbm>> -> memref<1x1x256x64xf32, #tpu.memory_space<hbm>>
      %dma_wait3A_171 = tpu.memref_squeeze %dma_wait3A_170 : memref<1x1x256x64xf32, #tpu.memory_space<hbm>> -> memref<256x64xf32, #tpu.memory_space<hbm>>
      %dma_wait3A_172 = arith.constant 0 : i32
      %dma_wait3A_173 = arith.constant 0 : i32
      %dma_wait3A_174 = tpu.memref_slice %arg4[%add3A, %sub3A_167, %dma_wait3A_172, %dma_wait3A_173] : memref<32x100x256x64xf32, #tpu.memory_space<hbm>> -> memref<1x1x256x64xf32, #tpu.memory_space<hbm>>
      %dma_wait3A_175 = tpu.memref_squeeze %dma_wait3A_174 : memref<1x1x256x64xf32, #tpu.memory_space<hbm>> -> memref<256x64xf32, #tpu.memory_space<hbm>>
      tpu.wait_dma2 semaphore(%arg16 : memref<!tpu.dma_semaphore, #tpu.memory_space<semaphore_mem>>) src(%arg6 : memref<256x64xf32, #tpu.memory_space<vmem>>) dst(%dma_wait3A_175 : memref<256x64xf32, #tpu.memory_space<hbm>>)
      %add3A_176 = arith.constant 3 : i32
      %add3A_177 = arith.addi %add3A_152, %add3A_176 : i32
      %mul3A_178 = arith.constant 256 : i32
      %mul3A_179 = arith.muli %add3A_177, %mul3A_178 : i32
      %dma_start3A_180 = tpu.memref_slice %arg5[%mul3A_179] : memref<25600xi32, #tpu.memory_space<vmem>> -> memref<256xi32, #tpu.memory_space<vmem>>
      %dma_start3A_181 = arith.constant 0 : i32
      %dma_start3A_182 = arith.constant 0 : i32
      %dma_start3A_183 = tpu.memref_slice %arg2[%dma_start3A_181, %dma_start3A_182] : memref<1000000x64xf32, #tpu.memory_space<hbm>> -> memref<1000000x64xf32, #tpu.memory_space<hbm>>
      tpu.enqueue_indirect_dma source(%dma_start3A_183 : memref<1000000x64xf32, #tpu.memory_space<hbm>>) target(%arg6 : memref<256x64xf32, #tpu.memory_space<vmem>>) offsets(%dma_start3A_180 : memref<256xi32, #tpu.memory_space<vmem>>) semaphore(%arg11 : memref<!tpu.dma_semaphore, #tpu.memory_space<semaphore_mem>>)
      %mul3A_184 = arith.constant 5 : i32
      %mul3A_185 = arith.muli %scan3A_145, %mul3A_184 : i32
      %add3A_186 = arith.constant 2 : i32
      %add3A_187 = arith.addi %add3A_186, %mul3A_185 : i32
      %add3A_188 = arith.constant 1 : i32
      %add3A_189 = arith.addi %add3A_187, %add3A_188 : i32
      %mul3A_190 = arith.constant 256 : i32
      %mul3A_191 = arith.muli %add3A_189, %mul3A_190 : i32
      %dma_wait3A_192 = tpu.memref_slice %arg5[%mul3A_191] : memref<25600xi32, #tpu.memory_space<vmem>> -> memref<256xi32, #tpu.memory_space<vmem>>
      %dma_wait3A_193 = arith.constant 0 : i32
      %dma_wait3A_194 = arith.constant 0 : i32
      %dma_wait3A_195 = tpu.memref_slice %arg2[%dma_wait3A_193, %dma_wait3A_194] : memref<1000000x64xf32, #tpu.memory_space<hbm>> -> memref<1000000x64xf32, #tpu.memory_space<hbm>>
      tpu.wait_indirect_dma semaphore(%arg14 : memref<!tpu.dma_semaphore, #tpu.memory_space<semaphore_mem>>) src(%dma_wait3A_195 : memref<1000000x64xf32, #tpu.memory_space<hbm>>) dst(%arg9 : memref<256x64xf32, #tpu.memory_space<vmem>>)
      %dma_start3A_196 = arith.constant 0 : i32
      %dma_start3A_197 = arith.constant 0 : i32
      %dma_start3A_198 = tpu.memref_slice %arg4[%add3A, %add3A_189, %dma_start3A_196, %dma_start3A_197] : memref<32x100x256x64xf32, #tpu.memory_space<hbm>> -> memref<1x1x256x64xf32, #tpu.memory_space<hbm>>
      %dma_start3A_199 = tpu.memref_squeeze %dma_start3A_198 : memref<1x1x256x64xf32, #tpu.memory_space<hbm>> -> memref<256x64xf32, #tpu.memory_space<hbm>>
      %dma_start3A_200 = arith.constant 0 : i32
      %dma_start3A_201 = arith.constant 0 : i32
      %dma_start3A_202 = tpu.memref_slice %arg4[%add3A, %add3A_189, %dma_start3A_200, %dma_start3A_201] : memref<32x100x256x64xf32, #tpu.memory_space<hbm>> -> memref<1x1x256x64xf32, #tpu.memory_space<hbm>>
      %dma_start3A_203 = tpu.memref_squeeze %dma_start3A_202 : memref<1x1x256x64xf32, #tpu.memory_space<hbm>> -> memref<256x64xf32, #tpu.memory_space<hbm>>
      tpu.enqueue_dma source(%arg9 : memref<256x64xf32, #tpu.memory_space<vmem>>) target(%dma_start3A_203 : memref<256x64xf32, #tpu.memory_space<hbm>>) target_semaphore(%arg19 : memref<!tpu.dma_semaphore, #tpu.memory_space<semaphore_mem>>)
      %sub3A_204 = arith.constant 2 : i32
      %sub3A_205 = arith.subi %add3A_189, %sub3A_204 : i32
      %dma_wait3A_206 = arith.constant 0 : i32
      %dma_wait3A_207 = arith.constant 0 : i32
      %dma_wait3A_208 = tpu.memref_slice %arg4[%add3A, %sub3A_205, %dma_wait3A_206, %dma_wait3A_207] : memref<32x100x256x64xf32, #tpu.memory_space<hbm>> -> memref<1x1x256x64xf32, #tpu.memory_space<hbm>>
      %dma_wait3A_209 = tpu.memref_squeeze %dma_wait3A_208 : memref<1x1x256x64xf32, #tpu.memory_space<hbm>> -> memref<256x64xf32, #tpu.memory_space<hbm>>
      %dma_wait3A_210 = arith.constant 0 : i32
      %dma_wait3A_211 = arith.constant 0 : i32
      %dma_wait3A_212 = tpu.memref_slice %arg4[%add3A, %sub3A_205, %dma_wait3A_210, %dma_wait3A_211] : memref<32x100x256x64xf32, #tpu.memory_space<hbm>> -> memref<1x1x256x64xf32, #tpu.memory_space<hbm>>
      %dma_wait3A_213 = tpu.memref_squeeze %dma_wait3A_212 : memref<1x1x256x64xf32, #tpu.memory_space<hbm>> -> memref<256x64xf32, #tpu.memory_space<hbm>>
      tpu.wait_dma2 semaphore(%arg17 : memref<!tpu.dma_semaphore, #tpu.memory_space<semaphore_mem>>) src(%arg7 : memref<256x64xf32, #tpu.memory_space<vmem>>) dst(%dma_wait3A_213 : memref<256x64xf32, #tpu.memory_space<hbm>>)
      %add3A_214 = arith.constant 3 : i32
      %add3A_215 = arith.addi %add3A_189, %add3A_214 : i32
      %mul3A_216 = arith.constant 256 : i32
      %mul3A_217 = arith.muli %add3A_215, %mul3A_216 : i32
      %dma_start3A_218 = tpu.memref_slice %arg5[%mul3A_217] : memref<25600xi32, #tpu.memory_space<vmem>> -> memref<256xi32, #tpu.memory_space<vmem>>
      %dma_start3A_219 = arith.constant 0 : i32
      %dma_start3A_220 = arith.constant 0 : i32
      %dma_start3A_221 = tpu.memref_slice %arg2[%dma_start3A_219, %dma_start3A_220] : memref<1000000x64xf32, #tpu.memory_space<hbm>> -> memref<1000000x64xf32, #tpu.memory_space<hbm>>
      tpu.enqueue_indirect_dma source(%dma_start3A_221 : memref<1000000x64xf32, #tpu.memory_space<hbm>>) target(%arg7 : memref<256x64xf32, #tpu.memory_space<vmem>>) offsets(%dma_start3A_218 : memref<256xi32, #tpu.memory_space<vmem>>) semaphore(%arg12 : memref<!tpu.dma_semaphore, #tpu.memory_space<semaphore_mem>>)
      %mul3A_222 = arith.constant 5 : i32
      %mul3A_223 = arith.muli %scan3A_145, %mul3A_222 : i32
      %add3A_224 = arith.constant 2 : i32
      %add3A_225 = arith.addi %add3A_224, %mul3A_223 : i32
      %add3A_226 = arith.constant 2 : i32
      %add3A_227 = arith.addi %add3A_225, %add3A_226 : i32
      %mul3A_228 = arith.constant 256 : i32
      %mul3A_229 = arith.muli %add3A_227, %mul3A_228 : i32
      %dma_wait3A_230 = tpu.memref_slice %arg5[%mul3A_229] : memref<25600xi32, #tpu.memory_space<vmem>> -> memref<256xi32, #tpu.memory_space<vmem>>
      %dma_wait3A_231 = arith.constant 0 : i32
      %dma_wait3A_232 = arith.constant 0 : i32
      %dma_wait3A_233 = tpu.memref_slice %arg2[%dma_wait3A_231, %dma_wait3A_232] : memref<1000000x64xf32, #tpu.memory_space<hbm>> -> memref<1000000x64xf32, #tpu.memory_space<hbm>>
      tpu.wait_indirect_dma semaphore(%arg15 : memref<!tpu.dma_semaphore, #tpu.memory_space<semaphore_mem>>) src(%dma_wait3A_233 : memref<1000000x64xf32, #tpu.memory_space<hbm>>) dst(%arg10 : memref<256x64xf32, #tpu.memory_space<vmem>>)
      %dma_start3A_234 = arith.constant 0 : i32
      %dma_start3A_235 = arith.constant 0 : i32
      %dma_start3A_236 = tpu.memref_slice %arg4[%add3A, %add3A_227, %dma_start3A_234, %dma_start3A_235] : memref<32x100x256x64xf32, #tpu.memory_space<hbm>> -> memref<1x1x256x64xf32, #tpu.memory_space<hbm>>
      %dma_start3A_237 = tpu.memref_squeeze %dma_start3A_236 : memref<1x1x256x64xf32, #tpu.memory_space<hbm>> -> memref<256x64xf32, #tpu.memory_space<hbm>>
      %dma_start3A_238 = arith.constant 0 : i32
      %dma_start3A_239 = arith.constant 0 : i32
      %dma_start3A_240 = tpu.memref_slice %arg4[%add3A, %add3A_227, %dma_start3A_238, %dma_start3A_239] : memref<32x100x256x64xf32, #tpu.memory_space<hbm>> -> memref<1x1x256x64xf32, #tpu.memory_space<hbm>>
      %dma_start3A_241 = tpu.memref_squeeze %dma_start3A_240 : memref<1x1x256x64xf32, #tpu.memory_space<hbm>> -> memref<256x64xf32, #tpu.memory_space<hbm>>
      tpu.enqueue_dma source(%arg10 : memref<256x64xf32, #tpu.memory_space<vmem>>) target(%dma_start3A_241 : memref<256x64xf32, #tpu.memory_space<hbm>>) target_semaphore(%arg20 : memref<!tpu.dma_semaphore, #tpu.memory_space<semaphore_mem>>)
      %sub3A_242 = arith.constant 2 : i32
      %sub3A_243 = arith.subi %add3A_227, %sub3A_242 : i32
      %dma_wait3A_244 = arith.constant 0 : i32
      %dma_wait3A_245 = arith.constant 0 : i32
      %dma_wait3A_246 = tpu.memref_slice %arg4[%add3A, %sub3A_243, %dma_wait3A_244, %dma_wait3A_245] : memref<32x100x256x64xf32, #tpu.memory_space<hbm>> -> memref<1x1x256x64xf32, #tpu.memory_space<hbm>>
      %dma_wait3A_247 = tpu.memref_squeeze %dma_wait3A_246 : memref<1x1x256x64xf32, #tpu.memory_space<hbm>> -> memref<256x64xf32, #tpu.memory_space<hbm>>
      %dma_wait3A_248 = arith.constant 0 : i32
      %dma_wait3A_249 = arith.constant 0 : i32
      %dma_wait3A_250 = tpu.memref_slice %arg4[%add3A, %sub3A_243, %dma_wait3A_248, %dma_wait3A_249] : memref<32x100x256x64xf32, #tpu.memory_space<hbm>> -> memref<1x1x256x64xf32, #tpu.memory_space<hbm>>
      %dma_wait3A_251 = tpu.memref_squeeze %dma_wait3A_250 : memref<1x1x256x64xf32, #tpu.memory_space<hbm>> -> memref<256x64xf32, #tpu.memory_space<hbm>>
      tpu.wait_dma2 semaphore(%arg18 : memref<!tpu.dma_semaphore, #tpu.memory_space<semaphore_mem>>) src(%arg8 : memref<256x64xf32, #tpu.memory_space<vmem>>) dst(%dma_wait3A_251 : memref<256x64xf32, #tpu.memory_space<hbm>>)
      %add3A_252 = arith.constant 3 : i32
      %add3A_253 = arith.addi %add3A_227, %add3A_252 : i32
      %mul3A_254 = arith.constant 256 : i32
      %mul3A_255 = arith.muli %add3A_253, %mul3A_254 : i32
      %dma_start3A_256 = tpu.memref_slice %arg5[%mul3A_255] : memref<25600xi32, #tpu.memory_space<vmem>> -> memref<256xi32, #tpu.memory_space<vmem>>
      %dma_start3A_257 = arith.constant 0 : i32
      %dma_start3A_258 = arith.constant 0 : i32
      %dma_start3A_259 = tpu.memref_slice %arg2[%dma_start3A_257, %dma_start3A_258] : memref<1000000x64xf32, #tpu.memory_space<hbm>> -> memref<1000000x64xf32, #tpu.memory_space<hbm>>
      tpu.enqueue_indirect_dma source(%dma_start3A_259 : memref<1000000x64xf32, #tpu.memory_space<hbm>>) target(%arg8 : memref<256x64xf32, #tpu.memory_space<vmem>>) offsets(%dma_start3A_256 : memref<256xi32, #tpu.memory_space<vmem>>) semaphore(%arg13 : memref<!tpu.dma_semaphore, #tpu.memory_space<semaphore_mem>>)
      %mul3A_260 = arith.constant 5 : i32
      %mul3A_261 = arith.muli %scan3A_145, %mul3A_260 : i32
      %add3A_262 = arith.constant 2 : i32
      %add3A_263 = arith.addi %add3A_262, %mul3A_261 : i32
      %add3A_264 = arith.constant 3 : i32
      %add3A_265 = arith.addi %add3A_263, %add3A_264 : i32
      %mul3A_266 = arith.constant 256 : i32
      %mul3A_267 = arith.muli %add3A_265, %mul3A_266 : i32
      %dma_wait3A_268 = tpu.memref_slice %arg5[%mul3A_267] : memref<25600xi32, #tpu.memory_space<vmem>> -> memref<256xi32, #tpu.memory_space<vmem>>
      %dma_wait3A_269 = arith.constant 0 : i32
      %dma_wait3A_270 = arith.constant 0 : i32
      %dma_wait3A_271 = tpu.memref_slice %arg2[%dma_wait3A_269, %dma_wait3A_270] : memref<1000000x64xf32, #tpu.memory_space<hbm>> -> memref<1000000x64xf32, #tpu.memory_space<hbm>>
      tpu.wait_indirect_dma semaphore(%arg11 : memref<!tpu.dma_semaphore, #tpu.memory_space<semaphore_mem>>) src(%dma_wait3A_271 : memref<1000000x64xf32, #tpu.memory_space<hbm>>) dst(%arg6 : memref<256x64xf32, #tpu.memory_space<vmem>>)
      %dma_start3A_272 = arith.constant 0 : i32
      %dma_start3A_273 = arith.constant 0 : i32
      %dma_start3A_274 = tpu.memref_slice %arg4[%add3A, %add3A_265, %dma_start3A_272, %dma_start3A_273] : memref<32x100x256x64xf32, #tpu.memory_space<hbm>> -> memref<1x1x256x64xf32, #tpu.memory_space<hbm>>
      %dma_start3A_275 = tpu.memref_squeeze %dma_start3A_274 : memref<1x1x256x64xf32, #tpu.memory_space<hbm>> -> memref<256x64xf32, #tpu.memory_space<hbm>>
      %dma_start3A_276 = arith.constant 0 : i32
      %dma_start3A_277 = arith.constant 0 : i32
      %dma_start3A_278 = tpu.memref_slice %arg4[%add3A, %add3A_265, %dma_start3A_276, %dma_start3A_277] : memref<32x100x256x64xf32, #tpu.memory_space<hbm>> -> memref<1x1x256x64xf32, #tpu.memory_space<hbm>>
      %dma_start3A_279 = tpu.memref_squeeze %dma_start3A_278 : memref<1x1x256x64xf32, #tpu.memory_space<hbm>> -> memref<256x64xf32, #tpu.memory_space<hbm>>
      tpu.enqueue_dma source(%arg6 : memref<256x64xf32, #tpu.memory_space<vmem>>) target(%dma_start3A_279 : memref<256x64xf32, #tpu.memory_space<hbm>>) target_semaphore(%arg16 : memref<!tpu.dma_semaphore, #tpu.memory_space<semaphore_mem>>)
      %sub3A_280 = arith.constant 2 : i32
      %sub3A_281 = arith.subi %add3A_265, %sub3A_280 : i32
      %dma_wait3A_282 = arith.constant 0 : i32
      %dma_wait3A_283 = arith.constant 0 : i32
      %dma_wait3A_284 = tpu.memref_slice %arg4[%add3A, %sub3A_281, %dma_wait3A_282, %dma_wait3A_283] : memref<32x100x256x64xf32, #tpu.memory_space<hbm>> -> memref<1x1x256x64xf32, #tpu.memory_space<hbm>>
      %dma_wait3A_285 = tpu.memref_squeeze %dma_wait3A_284 : memref<1x1x256x64xf32, #tpu.memory_space<hbm>> -> memref<256x64xf32, #tpu.memory_space<hbm>>
      %dma_wait3A_286 = arith.constant 0 : i32
      %dma_wait3A_287 = arith.constant 0 : i32
      %dma_wait3A_288 = tpu.memref_slice %arg4[%add3A, %sub3A_281, %dma_wait3A_286, %dma_wait3A_287] : memref<32x100x256x64xf32, #tpu.memory_space<hbm>> -> memref<1x1x256x64xf32, #tpu.memory_space<hbm>>
      %dma_wait3A_289 = tpu.memref_squeeze %dma_wait3A_288 : memref<1x1x256x64xf32, #tpu.memory_space<hbm>> -> memref<256x64xf32, #tpu.memory_space<hbm>>
      tpu.wait_dma2 semaphore(%arg19 : memref<!tpu.dma_semaphore, #tpu.memory_space<semaphore_mem>>) src(%arg9 : memref<256x64xf32, #tpu.memory_space<vmem>>) dst(%dma_wait3A_289 : memref<256x64xf32, #tpu.memory_space<hbm>>)
      %add3A_290 = arith.constant 3 : i32
      %add3A_291 = arith.addi %add3A_265, %add3A_290 : i32
      %mul3A_292 = arith.constant 256 : i32
      %mul3A_293 = arith.muli %add3A_291, %mul3A_292 : i32
      %dma_start3A_294 = tpu.memref_slice %arg5[%mul3A_293] : memref<25600xi32, #tpu.memory_space<vmem>> -> memref<256xi32, #tpu.memory_space<vmem>>
      %dma_start3A_295 = arith.constant 0 : i32
      %dma_start3A_296 = arith.constant 0 : i32
      %dma_start3A_297 = tpu.memref_slice %arg2[%dma_start3A_295, %dma_start3A_296] : memref<1000000x64xf32, #tpu.memory_space<hbm>> -> memref<1000000x64xf32, #tpu.memory_space<hbm>>
      tpu.enqueue_indirect_dma source(%dma_start3A_297 : memref<1000000x64xf32, #tpu.memory_space<hbm>>) target(%arg9 : memref<256x64xf32, #tpu.memory_space<vmem>>) offsets(%dma_start3A_294 : memref<256xi32, #tpu.memory_space<vmem>>) semaphore(%arg14 : memref<!tpu.dma_semaphore, #tpu.memory_space<semaphore_mem>>)
      %mul3A_298 = arith.constant 5 : i32
      %mul3A_299 = arith.muli %scan3A_145, %mul3A_298 : i32
      %add3A_300 = arith.constant 2 : i32
      %add3A_301 = arith.addi %add3A_300, %mul3A_299 : i32
      %add3A_302 = arith.constant 4 : i32
      %add3A_303 = arith.addi %add3A_301, %add3A_302 : i32
      %mul3A_304 = arith.constant 256 : i32
      %mul3A_305 = arith.muli %add3A_303, %mul3A_304 : i32
      %dma_wait3A_306 = tpu.memref_slice %arg5[%mul3A_305] : memref<25600xi32, #tpu.memory_space<vmem>> -> memref<256xi32, #tpu.memory_space<vmem>>
      %dma_wait3A_307 = arith.constant 0 : i32
      %dma_wait3A_308 = arith.constant 0 : i32
      %dma_wait3A_309 = tpu.memref_slice %arg2[%dma_wait3A_307, %dma_wait3A_308] : memref<1000000x64xf32, #tpu.memory_space<hbm>> -> memref<1000000x64xf32, #tpu.memory_space<hbm>>
      tpu.wait_indirect_dma semaphore(%arg12 : memref<!tpu.dma_semaphore, #tpu.memory_space<semaphore_mem>>) src(%dma_wait3A_309 : memref<1000000x64xf32, #tpu.memory_space<hbm>>) dst(%arg7 : memref<256x64xf32, #tpu.memory_space<vmem>>)
      %dma_start3A_310 = arith.constant 0 : i32
      %dma_start3A_311 = arith.constant 0 : i32
      %dma_start3A_312 = tpu.memref_slice %arg4[%add3A, %add3A_303, %dma_start3A_310, %dma_start3A_311] : memref<32x100x256x64xf32, #tpu.memory_space<hbm>> -> memref<1x1x256x64xf32, #tpu.memory_space<hbm>>
      %dma_start3A_313 = tpu.memref_squeeze %dma_start3A_312 : memref<1x1x256x64xf32, #tpu.memory_space<hbm>> -> memref<256x64xf32, #tpu.memory_space<hbm>>
      %dma_start3A_314 = arith.constant 0 : i32
      %dma_start3A_315 = arith.constant 0 : i32
      %dma_start3A_316 = tpu.memref_slice %arg4[%add3A, %add3A_303, %dma_start3A_314, %dma_start3A_315] : memref<32x100x256x64xf32, #tpu.memory_space<hbm>> -> memref<1x1x256x64xf32, #tpu.memory_space<hbm>>
      %dma_start3A_317 = tpu.memref_squeeze %dma_start3A_316 : memref<1x1x256x64xf32, #tpu.memory_space<hbm>> -> memref<256x64xf32, #tpu.memory_space<hbm>>
      tpu.enqueue_dma source(%arg7 : memref<256x64xf32, #tpu.memory_space<vmem>>) target(%dma_start3A_317 : memref<256x64xf32, #tpu.memory_space<hbm>>) target_semaphore(%arg17 : memref<!tpu.dma_semaphore, #tpu.memory_space<semaphore_mem>>)
      %sub3A_318 = arith.constant 2 : i32
      %sub3A_319 = arith.subi %add3A_303, %sub3A_318 : i32
      %dma_wait3A_320 = arith.constant 0 : i32
      %dma_wait3A_321 = arith.constant 0 : i32
      %dma_wait3A_322 = tpu.memref_slice %arg4[%add3A, %sub3A_319, %dma_wait3A_320, %dma_wait3A_321] : memref<32x100x256x64xf32, #tpu.memory_space<hbm>> -> memref<1x1x256x64xf32, #tpu.memory_space<hbm>>
      %dma_wait3A_323 = tpu.memref_squeeze %dma_wait3A_322 : memref<1x1x256x64xf32, #tpu.memory_space<hbm>> -> memref<256x64xf32, #tpu.memory_space<hbm>>
      %dma_wait3A_324 = arith.constant 0 : i32
      %dma_wait3A_325 = arith.constant 0 : i32
      %dma_wait3A_326 = tpu.memref_slice %arg4[%add3A, %sub3A_319, %dma_wait3A_324, %dma_wait3A_325] : memref<32x100x256x64xf32, #tpu.memory_space<hbm>> -> memref<1x1x256x64xf32, #tpu.memory_space<hbm>>
      %dma_wait3A_327 = tpu.memref_squeeze %dma_wait3A_326 : memref<1x1x256x64xf32, #tpu.memory_space<hbm>> -> memref<256x64xf32, #tpu.memory_space<hbm>>
      tpu.wait_dma2 semaphore(%arg20 : memref<!tpu.dma_semaphore, #tpu.memory_space<semaphore_mem>>) src(%arg10 : memref<256x64xf32, #tpu.memory_space<vmem>>) dst(%dma_wait3A_327 : memref<256x64xf32, #tpu.memory_space<hbm>>)
      %add3A_328 = arith.constant 3 : i32
      %add3A_329 = arith.addi %add3A_303, %add3A_328 : i32
      %mul3A_330 = arith.constant 256 : i32
      %mul3A_331 = arith.muli %add3A_329, %mul3A_330 : i32
      %dma_start3A_332 = tpu.memref_slice %arg5[%mul3A_331] : memref<25600xi32, #tpu.memory_space<vmem>> -> memref<256xi32, #tpu.memory_space<vmem>>
      %dma_start3A_333 = arith.constant 0 : i32
      %dma_start3A_334 = arith.constant 0 : i32
      %dma_start3A_335 = tpu.memref_slice %arg2[%dma_start3A_333, %dma_start3A_334] : memref<1000000x64xf32, #tpu.memory_space<hbm>> -> memref<1000000x64xf32, #tpu.memory_space<hbm>>
      tpu.enqueue_indirect_dma source(%dma_start3A_335 : memref<1000000x64xf32, #tpu.memory_space<hbm>>) target(%arg10 : memref<256x64xf32, #tpu.memory_space<vmem>>) offsets(%dma_start3A_332 : memref<256xi32, #tpu.memory_space<vmem>>) semaphore(%arg15 : memref<!tpu.dma_semaphore, #tpu.memory_space<semaphore_mem>>)
      %scan3A_336 = arith.constant 0 : i32
      scf.yield %scan3A_336 : i32
    }
    %scan3A_57 = arith.constant 19 : i32
    %dma_wait3A_58 = arith.constant 24832 : i32
    %dma_wait3A_59 = tpu.memref_slice %arg5[%dma_wait3A_58] : memref<25600xi32, #tpu.memory_space<vmem>> -> memref<256xi32, #tpu.memory_space<vmem>>
    %dma_wait3A_60 = arith.constant 0 : i32
    %dma_wait3A_61 = arith.constant 0 : i32
    %dma_wait3A_62 = tpu.memref_slice %arg2[%dma_wait3A_60, %dma_wait3A_61] : memref<1000000x64xf32, #tpu.memory_space<hbm>> -> memref<1000000x64xf32, #tpu.memory_space<hbm>>
    tpu.wait_indirect_dma semaphore(%arg13 : memref<!tpu.dma_semaphore, #tpu.memory_space<semaphore_mem>>) src(%dma_wait3A_62 : memref<1000000x64xf32, #tpu.memory_space<hbm>>) dst(%arg8 : memref<256x64xf32, #tpu.memory_space<vmem>>)
    %dma_start3A_63 = arith.constant 97 : i32
    %dma_start3A_64 = arith.constant 0 : i32
    %dma_start3A_65 = arith.constant 0 : i32
    %dma_start3A_66 = tpu.memref_slice %arg4[%add3A, %dma_start3A_63, %dma_start3A_64, %dma_start3A_65] : memref<32x100x256x64xf32, #tpu.memory_space<hbm>> -> memref<1x1x256x64xf32, #tpu.memory_space<hbm>>
    %dma_start3A_67 = tpu.memref_squeeze %dma_start3A_66 : memref<1x1x256x64xf32, #tpu.memory_space<hbm>> -> memref<256x64xf32, #tpu.memory_space<hbm>>
    %dma_start3A_68 = arith.constant 0 : i32
    %dma_start3A_69 = arith.constant 0 : i32
    %dma_start3A_70 = tpu.memref_slice %arg4[%add3A, %dma_start3A_63, %dma_start3A_68, %dma_start3A_69] : memref<32x100x256x64xf32, #tpu.memory_space<hbm>> -> memref<1x1x256x64xf32, #tpu.memory_space<hbm>>
    %dma_start3A_71 = tpu.memref_squeeze %dma_start3A_70 : memref<1x1x256x64xf32, #tpu.memory_space<hbm>> -> memref<256x64xf32, #tpu.memory_space<hbm>>
    tpu.enqueue_dma source(%arg8 : memref<256x64xf32, #tpu.memory_space<vmem>>) target(%dma_start3A_71 : memref<256x64xf32, #tpu.memory_space<hbm>>) target_semaphore(%arg18 : memref<!tpu.dma_semaphore, #tpu.memory_space<semaphore_mem>>)
    %dma_wait3A_72 = arith.constant 95 : i32
    %dma_wait3A_73 = arith.constant 0 : i32
    %dma_wait3A_74 = arith.constant 0 : i32
    %dma_wait3A_75 = tpu.memref_slice %arg4[%add3A, %dma_wait3A_72, %dma_wait3A_73, %dma_wait3A_74] : memref<32x100x256x64xf32, #tpu.memory_space<hbm>> -> memref<1x1x256x64xf32, #tpu.memory_space<hbm>>
    %dma_wait3A_76 = tpu.memref_squeeze %dma_wait3A_75 : memref<1x1x256x64xf32, #tpu.memory_space<hbm>> -> memref<256x64xf32, #tpu.memory_space<hbm>>
    %dma_wait3A_77 = arith.constant 0 : i32
    %dma_wait3A_78 = arith.constant 0 : i32
    %dma_wait3A_79 = tpu.memref_slice %arg4[%add3A, %dma_wait3A_72, %dma_wait3A_77, %dma_wait3A_78] : memref<32x100x256x64xf32, #tpu.memory_space<hbm>> -> memref<1x1x256x64xf32, #tpu.memory_space<hbm>>
    %dma_wait3A_80 = tpu.memref_squeeze %dma_wait3A_79 : memref<1x1x256x64xf32, #tpu.memory_space<hbm>> -> memref<256x64xf32, #tpu.memory_space<hbm>>
    tpu.wait_dma2 semaphore(%arg16 : memref<!tpu.dma_semaphore, #tpu.memory_space<semaphore_mem>>) src(%arg6 : memref<256x64xf32, #tpu.memory_space<vmem>>) dst(%dma_wait3A_80 : memref<256x64xf32, #tpu.memory_space<hbm>>)
    %dma_wait3A_81 = arith.constant 25088 : i32
    %dma_wait3A_82 = tpu.memref_slice %arg5[%dma_wait3A_81] : memref<25600xi32, #tpu.memory_space<vmem>> -> memref<256xi32, #tpu.memory_space<vmem>>
    %dma_wait3A_83 = arith.constant 0 : i32
    %dma_wait3A_84 = arith.constant 0 : i32
    %dma_wait3A_85 = tpu.memref_slice %arg2[%dma_wait3A_83, %dma_wait3A_84] : memref<1000000x64xf32, #tpu.memory_space<hbm>> -> memref<1000000x64xf32, #tpu.memory_space<hbm>>
    tpu.wait_indirect_dma semaphore(%arg14 : memref<!tpu.dma_semaphore, #tpu.memory_space<semaphore_mem>>) src(%dma_wait3A_85 : memref<1000000x64xf32, #tpu.memory_space<hbm>>) dst(%arg9 : memref<256x64xf32, #tpu.memory_space<vmem>>)
    %dma_start3A_86 = arith.constant 98 : i32
    %dma_start3A_87 = arith.constant 0 : i32
    %dma_start3A_88 = arith.constant 0 : i32
    %dma_start3A_89 = tpu.memref_slice %arg4[%add3A, %dma_start3A_86, %dma_start3A_87, %dma_start3A_88] : memref<32x100x256x64xf32, #tpu.memory_space<hbm>> -> memref<1x1x256x64xf32, #tpu.memory_space<hbm>>
    %dma_start3A_90 = tpu.memref_squeeze %dma_start3A_89 : memref<1x1x256x64xf32, #tpu.memory_space<hbm>> -> memref<256x64xf32, #tpu.memory_space<hbm>>
    %dma_start3A_91 = arith.constant 0 : i32
    %dma_start3A_92 = arith.constant 0 : i32
    %dma_start3A_93 = tpu.memref_slice %arg4[%add3A, %dma_start3A_86, %dma_start3A_91, %dma_start3A_92] : memref<32x100x256x64xf32, #tpu.memory_space<hbm>> -> memref<1x1x256x64xf32, #tpu.memory_space<hbm>>
    %dma_start3A_94 = tpu.memref_squeeze %dma_start3A_93 : memref<1x1x256x64xf32, #tpu.memory_space<hbm>> -> memref<256x64xf32, #tpu.memory_space<hbm>>
    tpu.enqueue_dma source(%arg9 : memref<256x64xf32, #tpu.memory_space<vmem>>) target(%dma_start3A_94 : memref<256x64xf32, #tpu.memory_space<hbm>>) target_semaphore(%arg19 : memref<!tpu.dma_semaphore, #tpu.memory_space<semaphore_mem>>)
    %dma_wait3A_95 = arith.constant 96 : i32
    %dma_wait3A_96 = arith.constant 0 : i32
    %dma_wait3A_97 = arith.constant 0 : i32
    %dma_wait3A_98 = tpu.memref_slice %arg4[%add3A, %dma_wait3A_95, %dma_wait3A_96, %dma_wait3A_97] : memref<32x100x256x64xf32, #tpu.memory_space<hbm>> -> memref<1x1x256x64xf32, #tpu.memory_space<hbm>>
    %dma_wait3A_99 = tpu.memref_squeeze %dma_wait3A_98 : memref<1x1x256x64xf32, #tpu.memory_space<hbm>> -> memref<256x64xf32, #tpu.memory_space<hbm>>
    %dma_wait3A_100 = arith.constant 0 : i32
    %dma_wait3A_101 = arith.constant 0 : i32
    %dma_wait3A_102 = tpu.memref_slice %arg4[%add3A, %dma_wait3A_95, %dma_wait3A_100, %dma_wait3A_101] : memref<32x100x256x64xf32, #tpu.memory_space<hbm>> -> memref<1x1x256x64xf32, #tpu.memory_space<hbm>>
    %dma_wait3A_103 = tpu.memref_squeeze %dma_wait3A_102 : memref<1x1x256x64xf32, #tpu.memory_space<hbm>> -> memref<256x64xf32, #tpu.memory_space<hbm>>
    tpu.wait_dma2 semaphore(%arg17 : memref<!tpu.dma_semaphore, #tpu.memory_space<semaphore_mem>>) src(%arg7 : memref<256x64xf32, #tpu.memory_space<vmem>>) dst(%dma_wait3A_103 : memref<256x64xf32, #tpu.memory_space<hbm>>)
    %dma_wait3A_104 = arith.constant 25344 : i32
    %dma_wait3A_105 = tpu.memref_slice %arg5[%dma_wait3A_104] : memref<25600xi32, #tpu.memory_space<vmem>> -> memref<256xi32, #tpu.memory_space<vmem>>
    %dma_wait3A_106 = arith.constant 0 : i32
    %dma_wait3A_107 = arith.constant 0 : i32
    %dma_wait3A_108 = tpu.memref_slice %arg2[%dma_wait3A_106, %dma_wait3A_107] : memref<1000000x64xf32, #tpu.memory_space<hbm>> -> memref<1000000x64xf32, #tpu.memory_space<hbm>>
    tpu.wait_indirect_dma semaphore(%arg15 : memref<!tpu.dma_semaphore, #tpu.memory_space<semaphore_mem>>) src(%dma_wait3A_108 : memref<1000000x64xf32, #tpu.memory_space<hbm>>) dst(%arg10 : memref<256x64xf32, #tpu.memory_space<vmem>>)
    %dma_start3A_109 = arith.constant 99 : i32
    %dma_start3A_110 = arith.constant 0 : i32
    %dma_start3A_111 = arith.constant 0 : i32
    %dma_start3A_112 = tpu.memref_slice %arg4[%add3A, %dma_start3A_109, %dma_start3A_110, %dma_start3A_111] : memref<32x100x256x64xf32, #tpu.memory_space<hbm>> -> memref<1x1x256x64xf32, #tpu.memory_space<hbm>>
    %dma_start3A_113 = tpu.memref_squeeze %dma_start3A_112 : memref<1x1x256x64xf32, #tpu.memory_space<hbm>> -> memref<256x64xf32, #tpu.memory_space<hbm>>
    %dma_start3A_114 = arith.constant 0 : i32
    %dma_start3A_115 = arith.constant 0 : i32
    %dma_start3A_116 = tpu.memref_slice %arg4[%add3A, %dma_start3A_109, %dma_start3A_114, %dma_start3A_115] : memref<32x100x256x64xf32, #tpu.memory_space<hbm>> -> memref<1x1x256x64xf32, #tpu.memory_space<hbm>>
    %dma_start3A_117 = tpu.memref_squeeze %dma_start3A_116 : memref<1x1x256x64xf32, #tpu.memory_space<hbm>> -> memref<256x64xf32, #tpu.memory_space<hbm>>
    tpu.enqueue_dma source(%arg10 : memref<256x64xf32, #tpu.memory_space<vmem>>) target(%dma_start3A_117 : memref<256x64xf32, #tpu.memory_space<hbm>>) target_semaphore(%arg20 : memref<!tpu.dma_semaphore, #tpu.memory_space<semaphore_mem>>)
    %dma_wait3A_118 = arith.constant 97 : i32
    %dma_wait3A_119 = arith.constant 0 : i32
    %dma_wait3A_120 = arith.constant 0 : i32
    %dma_wait3A_121 = tpu.memref_slice %arg4[%add3A, %dma_wait3A_118, %dma_wait3A_119, %dma_wait3A_120] : memref<32x100x256x64xf32, #tpu.memory_space<hbm>> -> memref<1x1x256x64xf32, #tpu.memory_space<hbm>>
    %dma_wait3A_122 = tpu.memref_squeeze %dma_wait3A_121 : memref<1x1x256x64xf32, #tpu.memory_space<hbm>> -> memref<256x64xf32, #tpu.memory_space<hbm>>
    %dma_wait3A_123 = arith.constant 0 : i32
    %dma_wait3A_124 = arith.constant 0 : i32
    %dma_wait3A_125 = tpu.memref_slice %arg4[%add3A, %dma_wait3A_118, %dma_wait3A_123, %dma_wait3A_124] : memref<32x100x256x64xf32, #tpu.memory_space<hbm>> -> memref<1x1x256x64xf32, #tpu.memory_space<hbm>>
    %dma_wait3A_126 = tpu.memref_squeeze %dma_wait3A_125 : memref<1x1x256x64xf32, #tpu.memory_space<hbm>> -> memref<256x64xf32, #tpu.memory_space<hbm>>
    tpu.wait_dma2 semaphore(%arg18 : memref<!tpu.dma_semaphore, #tpu.memory_space<semaphore_mem>>) src(%arg8 : memref<256x64xf32, #tpu.memory_space<vmem>>) dst(%dma_wait3A_126 : memref<256x64xf32, #tpu.memory_space<hbm>>)
    %dma_wait3A_127 = arith.constant 98 : i32
    %dma_wait3A_128 = arith.constant 0 : i32
    %dma_wait3A_129 = arith.constant 0 : i32
    %dma_wait3A_130 = tpu.memref_slice %arg4[%add3A, %dma_wait3A_127, %dma_wait3A_128, %dma_wait3A_129] : memref<32x100x256x64xf32, #tpu.memory_space<hbm>> -> memref<1x1x256x64xf32, #tpu.memory_space<hbm>>
    %dma_wait3A_131 = tpu.memref_squeeze %dma_wait3A_130 : memref<1x1x256x64xf32, #tpu.memory_space<hbm>> -> memref<256x64xf32, #tpu.memory_space<hbm>>
    %dma_wait3A_132 = arith.constant 0 : i32
    %dma_wait3A_133 = arith.constant 0 : i32
    %dma_wait3A_134 = tpu.memref_slice %arg4[%add3A, %dma_wait3A_127, %dma_wait3A_132, %dma_wait3A_133] : memref<32x100x256x64xf32, #tpu.memory_space<hbm>> -> memref<1x1x256x64xf32, #tpu.memory_space<hbm>>
    %dma_wait3A_135 = tpu.memref_squeeze %dma_wait3A_134 : memref<1x1x256x64xf32, #tpu.memory_space<hbm>> -> memref<256x64xf32, #tpu.memory_space<hbm>>
    tpu.wait_dma2 semaphore(%arg19 : memref<!tpu.dma_semaphore, #tpu.memory_space<semaphore_mem>>) src(%arg9 : memref<256x64xf32, #tpu.memory_space<vmem>>) dst(%dma_wait3A_135 : memref<256x64xf32, #tpu.memory_space<hbm>>)
    %dma_wait3A_136 = arith.constant 99 : i32
    %dma_wait3A_137 = arith.constant 0 : i32
    %dma_wait3A_138 = arith.constant 0 : i32
    %dma_wait3A_139 = tpu.memref_slice %arg4[%add3A, %dma_wait3A_136, %dma_wait3A_137, %dma_wait3A_138] : memref<32x100x256x64xf32, #tpu.memory_space<hbm>> -> memref<1x1x256x64xf32, #tpu.memory_space<hbm>>
    %dma_wait3A_140 = tpu.memref_squeeze %dma_wait3A_139 : memref<1x1x256x64xf32, #tpu.memory_space<hbm>> -> memref<256x64xf32, #tpu.memory_space<hbm>>
    %dma_wait3A_141 = arith.constant 0 : i32
    %dma_wait3A_142 = arith.constant 0 : i32
    %dma_wait3A_143 = tpu.memref_slice %arg4[%add3A, %dma_wait3A_136, %dma_wait3A_141, %dma_wait3A_142] : memref<32x100x256x64xf32, #tpu.memory_space<hbm>> -> memref<1x1x256x64xf32, #tpu.memory_space<hbm>>
    %dma_wait3A_144 = tpu.memref_squeeze %dma_wait3A_143 : memref<1x1x256x64xf32, #tpu.memory_space<hbm>> -> memref<256x64xf32, #tpu.memory_space<hbm>>
    tpu.wait_dma2 semaphore(%arg20 : memref<!tpu.dma_semaphore, #tpu.memory_space<semaphore_mem>>) src(%arg10 : memref<256x64xf32, #tpu.memory_space<vmem>>) dst(%dma_wait3A_144 : memref<256x64xf32, #tpu.memory_space<hbm>>)
    return
  }
}

</mosaic_0001>

<sc_bundles>
// kernel: _embed.3.cloned.1.call-start
scs
__scs_entry_jumppad:
0x0: {  	(pc) =	sbr.rel $0x88, $3  }
0x1: {  	(tag) =	ssettag $0x0;
	lr =	simm.s32 $0x1  }
0x2: {  	[smem:$0x3F9F] =	sst lr;
	_ =	strace $0xD0000000  }
0x3: {  	_ = 	snop  }
0x4: {  	_ = 	snop  }
0x5: {  	_ = 	snop  }
0x6: {  	_ = 	snop  }
0x7: {  	_ = 	snop  }
__scs_overlays_trampoline_lowered:
0x8: {  	[smem:$0x3FAE] =	sst s0  }
0x9: {  	[smem:$0x3FAF] =	sst s1  }
0xa: {  	[smem:$0x3FB0] =	sst s2  }
0xb: {  	[smem:$0x3FB1] =	sst s3  }
0xc: {  	[smem:$0x3FB2] =	sst s4  }
0xd: {  	[smem:$0x3FB3] =	sst s5  }
0xe: {  	[smem:$0x3FB4] =	sst s6  }
0xf: {  	[smem:$0x3FB5] =	sst s7  }
0x10: {  	[smem:$0x3FB6] =	sst s8  }
0x11: {  	[smem:$0x3FB7] =	sst s9;
	s0 =	simm.s32 @!p0 $0x0  }
0x12: {  	s1 =	sld [smem:$0x3F9D];
	s0 =	simm.s32 @p0 $0x1  }
0x13: {  	[smem:$0x3FB8] =	sst s0;
	s0 =	simm.s32 @!p1 $0x0  }
0x14: {  	s2 =	sld [smem:$0x3F9C];
	s0 =	simm.s32 @p1 $0x1  }
0x15: {  	[smem:$0x3FB9] =	sst s0;
	s0 =	simm.s32 @!p2 $0x0  }
0x16: {  	s3 =	sld [smem:$0x3FDB];
	s0 =	simm.s32 @p2 $0x1  }
0x17: {  	s4 =	simm.s32 $0x1BF5;
	[smem:$0x3FBB] =	sst s0  }
0x18: {  	s0 =	sld [smem:$0x3F9E];
	_ =	swait.ge [sflag:s4], $0x0  }
0x19: {  	s7 =	sld [smem:$0x3F9F]  }
0x1a: {  	s8 =	sadd.s32 $0xFFFFE003, lr  }
0x1b: {  	s9 =	sadd.s32 $0xFFFFFEF7, lr;
	s5 =	simm.s32 $0xFFFFFFFF;
	p2 =	slt.u32 s8, $0xFFFFF086  }
0x1c: {  	p1 =	slt.u32 s9, $0xF7A;
	s5 =	simm.s32 @!p2 $0x0  }
0x1d: {  	s5 =	simm.s32 @p1 $0x1;
	p0 =	seq.s32 s7, s2  }
0x1e: {  	s7 =	smul.u32 @!p0 $0xF7A, s2;
	p2 =	seq.s32 @!p0 s5, $0x0  }
0x1f: {  	s9 =	smul.u32 $0xF7A, s1;
	s8 =	simm.s32 @!p0 $0x1BF5;
	p2 =	por !p2, p0  }
0x20: {  	[sflag:s8] =	ssyncset.s32 @!p0 $0xFFFFF086;
	s6 =	sadd.s32 @!p0 s3, s7;
	s7 =	simm.s32 @!p0 $0x108  }
0x21: {  	s3 =	sadd.s32 s3, s9;
	s6 =	sadd.s32 @!p0 $0x88, s6;
	s7 =	simm.s32 @p2 $0x1082  }
0x22: {  	[simem:s7], [sflag:s8] =	dma.local @!p0 [hbm:s6], $0xF7A  }
0x23: {  	s9 =	sor.u32 $0xD0000000, s2;
	s6 =	simm.s32 $0x108;
	_ =	swait.ge @!p0 [sflag:s8], $0x0  }
0x24: {  	s3 =	sadd.s32 $0x88, s3;
	s6 =	simm.s32 @!p1 $0x1082;
	[sflag:s4] =	ssyncset.s32 $0xFFFFF086  }
0x25: {  	[simem:s6], [sflag:s4] =	dma.local [hbm:s3], $0xF7A  }
0x26: {  	[smem:$0x3F9F] =	sst s1;
	(tag) =	ssettag s2;
	_ =	strace s9  }
0x27: {  	s1 =	sld [smem:$0x3FAF]  }
0x28: {  	s2 =	sld [smem:$0x3FB0]  }
0x29: {  	s4 =	sld [smem:$0x3FB2]  }
0x2a: {  	p0 =	seq.s32 s5, $0x0;
	s5 =	sld [smem:$0x3FB3]  }
0x2b: {  	s6 =	sld [smem:$0x3FB4]  }
0x2c: {  	s7 =	sld [smem:$0x3FB5]  }
0x2d: {  	s3 =	simm.s32 $0x108;
	s8 =	sld [smem:$0x3FB6]  }
0x2e: {  	s3 =	simm.s32 @!p0 $0x1082;
	s9 =	sld [smem:$0x3FB7]  }
0x2f: {  	lr =	sadd.s32 s0, s3;
	s0 =	sld [smem:$0x3FAE]  }
0x30: {  	s3 =	sld [smem:$0x3FB1]  }
0x31: {  	[smem:$0x3FBA] =	sst s10  }
0x32: {  	s10 =	sld [smem:$0x3FB8];
	_ =	sdelay $0x3  }
0x33: {  	p0 =	seq.s32 s10, $0x1;
	s10 =	sld [smem:$0x3FBA];
	_ =	sdelay $0x3  }
0x34: {  	[smem:$0x3FBA] =	sst s10  }
0x35: {  	s10 =	sld [smem:$0x3FB9];
	_ =	sdelay $0x3  }
0x36: {  	p1 =	seq.s32 s10, $0x1;
	s10 =	sld [smem:$0x3FBA];
	_ =	sdelay $0x3  }
0x37: {  	[smem:$0x3FBA] =	sst s10  }
0x38: {  	s10 =	sld [smem:$0x3FBB]  }
0x39: {  	_ = 	snop;
	(pc) =	sbr.ind lr, $3  }
0x3a: {  	_ = 	snop  }
0x3b: {  	_ = 	snop  }
0x3c: {  	p2 =	seq.s32 s10, $0x1;
	s10 =	sld [smem:$0x3FBA]  }
0x3d: {  	_ =	shalt  }
0x3e: {  	_ =	shalt  }
0x3f: {  	_ =	shalt  }
0x40: {  	_ =	shalt  }
0x41: {  	_ =	shalt  }
0x42: {  	_ =	shalt  }
0x43: {  	_ =	shalt  }
0x44: {  	_ =	shalt  }
0x45: {  	_ =	shalt  }
0x46: {  	_ =	shalt  }
0x47: {  	_ =	shalt  }
0x48: {  	_ =	shalt  }
0x49: {  	_ =	shalt  }
0x4a: {  	_ =	shalt  }
0x4b: {  	_ =	shalt  }
0x4c: {  	_ =	shalt  }
0x4d: {  	_ =	shalt  }
0x4e: {  	_ =	shalt  }
0x4f: {  	_ =	shalt  }
0x50: {  	_ =	shalt  }
0x51: {  	_ =	shalt  }
0x52: {  	_ =	shalt  }
0x53: {  	_ =	shalt  }
0x54: {  	_ =	shalt  }
0x55: {  	_ =	shalt  }
0x56: {  	_ =	shalt  }
0x57: {  	_ =	shalt  }
0x58: {  	_ =	shalt  }
0x59: {  	_ =	shalt  }
0x5a: {  	_ =	shalt  }
0x5b: {  	_ =	shalt  }
0x5c: {  	_ =	shalt  }
0x5d: {  	_ =	shalt  }
0x5e: {  	_ =	shalt  }
0x5f: {  	_ =	shalt  }
0x60: {  	_ =	shalt  }
0x61: {  	_ =	shalt  }
0x62: {  	_ =	shalt  }
0x63: {  	_ =	shalt  }
0x64: {  	_ =	shalt  }
0x65: {  	_ =	shalt  }
0x66: {  	_ =	shalt  }
0x67: {  	_ =	shalt  }
0x68: {  	_ =	shalt  }
0x69: {  	_ =	shalt  }
0x6a: {  	_ =	shalt  }
0x6b: {  	_ =	shalt  }
0x6c: {  	_ =	shalt  }
0x6d: {  	_ =	shalt  }
0x6e: {  	_ =	shalt  }
0x6f: {  	_ =	shalt  }
0x70: {  	_ =	shalt  }
0x71: {  	_ =	shalt  }
0x72: {  	_ =	shalt  }
0x73: {  	_ =	shalt  }
0x74: {  	_ =	shalt  }
0x75: {  	_ =	shalt  }
0x76: {  	_ =	shalt  }
0x77: {  	_ =	shalt  }
0x78: {  	_ =	shalt  }
0x79: {  	_ =	shalt  }
0x7a: {  	_ =	shalt  }
0x7b: {  	_ =	shalt  }
0x7c: {  	_ =	shalt  }
0x7d: {  	_ =	shalt  }
0x7e: {  	_ =	shalt  }
0x7f: {  	_ =	shalt  }
0x80: {  	_ =	shalt  }
0x81: {  	_ =	shalt  }
0x82: {  	_ =	shalt  }
0x83: {  	_ =	shalt  }
0x84: {  	_ =	shalt  }
0x85: {  	_ =	shalt  }
0x86: {  	_ =	shalt  }
0x87: {  	_ =	shalt  }
.Lfunc_end0:
.L_simem_size_0:
called_computation.1_lowered:
.L_overlay_start_0:
0x88: {  	s2 =	sld [smem:$0x3FD9]  }
0x89: {  	s3 =	sld [smem:$0x3FFE];
	_ =	sdelay $0x1  }
0x8a: {  	s1 =	srdreg.scid  }
0x8b: {  	s0 =	sand.u32 $0x1, s1  }
0x8c: {  	s17 =	sshll.u32 s0, $0xA;
	s2 =	sadd.s32 s3, s2  }
0x8d: {  	s2 =	sadd.s32 s2, s17  }
0x8e: {  	[smem:$0x3FC6] =	sst s2  }
0x8f: {  	_ = 	snop  }
0x90: {  	s2 =	sld [smem:$0x3FD0];
	(tm) =	ssettm $0x1  }
0x91: {  	s18 =	sld [smem:$0x3FFB];
	_ =	sdelay $0x3  }
0x92: {  	_ =	strace s18  }
0x93: {  	s3 =	sld [smem:$0x3FFC];
	_ =	sdelay $0x3  }
0x94: {  	_ =	strace s3  }
0x95: {  	s3 =	sld [smem:$0x3FFD];
	_ =	sdelay $0x3  }
0x96: {  	_ =	strace s3  }
0x97: {  	_ =	strace $0x8FFFFFFF  }
0x98: {  	s19 =	sld [smem:$0x3FDB];
	_ =	sdelay $0x1  }
0x99: {  	s4 =	simm.s32 $_scs_section_size  }
0x9a: {  	s5 =	simm.s32 $_size__tile_overlayer_lowered;
	s6 =	simm.s32 $_tile_overlayer_lowered  }
0x9b: {  	s22 =	simm.s32 $0x1BFF;
	s21 =	sshll.u32 s6, $0x1;
	s3 =	sadd.s32 s4, s19  }
0x9c: {  	s7 =	simm.s32 $0x0;
	s20 =	sshll.u32 s5, $0x1;
	s5 =	sadd.s32 s21, s3  }
0x9d: {  	[timem:s7], [sflag:s22] =	dma.local [hbm:s5], s20  }
0x9e: {  	_ =	swait.ge [sflag:s22], s20  }
0x9f: {  	s4 =	ssub.s32 $0x0, s20;
	[sflag:s22] =	ssyncset.done $0x0  }
0xa0: {  	[sflag:s22] =	ssyncadd.s32 s4;
	_ =	sdelay $0x1  }
0xa1: {  	s23 =	simm.s32 $0x1B8B  }
0xa2: {  	_ =	swait.ge [sflag:s23], $0x1  }
0xa3: {  	[sflag:s23] =	ssyncset.done $0x0  }
0xa4: {  	s25 =	simm.s32 $0x1B8E;
	s24 =	sld [smem:$0x3FFE];
	[sflag:s23] =	ssyncadd.s32 $0xFFFFFFFF  }
0xa5: {  	s26 =	simm.s32 $execute0_lowered;
	[smem:$0x3FD2] =	sst s25  }
0xa6: {  	s5 =	sshll.u32 s26, $0x1;
	_ =	strace $0x80000046;
	[dreg:$0x1] =	wrdreg $0xFFFFFFFF  }
0xa7: {  	s28 =	simm.s32 $_size_execute0_lowered;
	s3 =	sadd.s32 s3, s5;
	[dreg:$0x0] =	wrdreg $0x0  }
0xa8: {  	s5 =	sshll.u32 s28, $0x1;
	[dreg:$0x2] =	wrdreg s3  }
0xa9: {  	[dreg:$0x3] =	wrdreg s5  }
0xaa: {  	[dreg:$0x4] =	wrdreg $0xC0  }
0xab: {  	_ =	task [dreg:s7], $0x5FFFF  }
0xac: {  	[dreg:$0x1] =	wrdreg $0xFFFFFFFF  }
0xad: {  	[dreg:$0x0] =	wrdreg $0x60  }
0xae: {  	[dreg:$0x2] =	wrdreg s24  }
0xaf: {  	[dreg:$0x3] =	wrdreg s2  }
0xb0: {  	[dreg:$0x4] =	wrdreg $0x9  }
0xb1: {  	_ =	task.clear_ibuf [dreg:s7], $0x5FFFF;
	_ =	strace $0x90000046  }
0xb2: {  	s29 =	simm.s32 $0x9;
	_ =	strace $0x80000048  }
0xb3: {  	_ =	swait.ge [sflag:s29], $0x1  }
0xb4: {  	[sflag:s29] =	ssyncadd.s32 $0xFFFFFFFF  }
0xb5: {  	_ =	strace $0x90000048  }
0xb6: {  	_ =	sfence  }
0xb7: {  	s30 =	sld [smem:$0x0];
	_ =	sdelay $0x2  }
0xb8: {  	s31 =	sshll.u32 s1, $0xD;
	s1 =	sshrl.u32 s1, $0x2  }
0xb9: {  	s3 =	sand.u32 $0x4000, s31;
	s1 =	sadd.s32 s1, s30  }
0xba: {  	s0 =	sor.u32 s3, s0;
	s1 =	sshll.u32 s1, $0x11  }
0xbb: {  	s0 =	sor.u32 s1, s0  }
0xbc: {  	s0 =	sadd.s32 $0x8F2B, s0  }
0xbd: {  	[sflag:s0] =	ssyncadd.remote.s32 $0x1  }
0xbe: {  	_ =	sfence.sel $0xFFFF  }
0xbf: {  	[dreg:$0x0] =	wrdreg $0xFFFFFFFF;
	(pc) =	sbr.abs _section_cstart, $3  }
0xc0: {  	[dreg:$0x1] =	wrdreg $0xFFFFFFFF  }
0xc1: {  	_ =	task.clear_ibuf [dreg:s7], $0x2FFFF;
	_ =	strace $0x9FFFFFFF  }
0xc2: {  	(tm) =	ssettm $0x7FFFFFFF  }
0xc3: {  	_ =	shalt  }
tec
execute0_lowered:
.L_overlay_start_1:
0x0: {  	(tag) =	ssettag $0x1  }
0x1: {  	s0 =	srdreg.scid;
	s1 =	rddreg [dreg:$0x0]  }
0x2: {  	s8 =	stileid.u32;
	s2 =	rddreg [dreg:$0x1]  }
0x3: {  	s29 =	simm.s32 $0x16400;
	s30 =	simm.s32 $0x3;
	s31 =	simm.s32 $0x6  }
0x4: {  	s0 =	sand.u32 $0x1, s0;
	s3 =	sshll.u32 s8, $0x1;
	s8 =	smul.u32 $0x320000, s8  }
0x5: {  	s4 =	sor.u32 s0, s3;
	s7 =	ssub.s32 $0x2, s0;
	s0 =	smul.u32 $0x190000, s0  }
0x6: {  	s28 =	simm.s32 $0x9;
	s3 =	simm.s32 $0x0;
	s5 =	smul.u32 $0xC80, s4  }
0x7: {  	[smem:$0x7FF] =	sst s3;
	s6 =	smul.u32 $0x190000, s4;
	s9 =	sshrl.u32 s7, $0x1  }
0x8: {  	s4 =	sadd.s32 $0xF42E00, s1;
	_ =	strace $0x80000047;
	s17 =	ssub.s32 s7, s9  }
0x9: {  	s0 =	sadd.s32 s0, s8;
	s7 =	simm.s32 $0x0;
	s1 =	sadd.s32 s5, s1  }
0xa: {  	s6 =	sshrl.u32 s6, $0x3;
	s20 =	sadd.s32 $0x10000, s0;
	s5 =	smax.u32 s17, $0x1  }
0xb: {  	s22 =	sor.u32 $0xC000, s0;
	s23 =	sor.u32 $0x8000, s0;
	s24 =	sadd.s32 $0x18000, s0  }
0xc: {  	s16 =	sadd.s32 $0x14000, s0;
	s0 =	simm.s32 $0x7;
	s1 =	sadd.s32 $0xA00, s1  }
0xd: {  	s6 =	sadd.s32 s2, s6;
	[dreg:$0x9] =	wrdreg s5;
	s25 =	sshrl.u32 s23, $0x3  }
0xe: {  	s26 =	sshrl.u32 s24, $0x3;
	s23 =	simm.s32 $0x1;
	s24 =	simm.s32 $0x8  }
0xf: {  	s5 =	simm.s32 $0xA;
	[dreg:$0x3] =	wrdreg s1;
	s18 =	sadd.s32 $0x800, s6  }
0x10: {  	s19 =	sadd.s32 $0x30800, s6;
	s21 =	sadd.s32 $0x31000, s6;
	[dreg:$0x4] =	wrdreg s6  }
0x11: {  	s6 =	sadd.s32 $0x31800, s6;
	s1 =	sshrl.u32 s20, $0x3;
	[dreg:$0x5] =	wrdreg s18  }
0x12: {  	s14 =	sadd.s32 s25, s2;
	s15 =	sadd.s32 s26, s2;
	[dreg:$0x6] =	wrdreg s19  }
0x13: {  	s20 =	simm.s32 $0xA400;
	s25 =	simm.s32 $0x12400;
	[dreg:$0x7] =	wrdreg s21  }
0x14: {  	s26 =	simm.s32 $0x2;
	[dreg:$0x8] =	wrdreg s6;
	s1 =	sadd.s32 s1, s2  }
0x15: {  	s18 =	simm.s32 $0x100;
	[dreg:$0xa] =	wrdreg s1;
	s1 =	sshrl.u32 s22, $0x3  }
0x16: {  	s19 =	simm.s32 $0x6400;
	s21 =	simm.s32 $0x5;
	s1 =	sadd.s32 s1, s2  }
0x17: {  	s22 =	simm.s32 $0xE400;
	[dreg:$0xb] =	wrdreg s1;
	s1 =	simm.s32 $0x4  }
.LBB2_1:
0x18: {  	s6 =	rddreg [dreg:$0x3];
	s9 =	simm.s32 $0xB  }
0x19: {  	[tilespmem:s3], [sflag:$0xB] =	stream.linear.gather [hbm4b:s6+s3], $0x6400, $0x38;
	[tilespmem:$0x1A400] =	vst v63  }
0x1a: {  	_ =	swait.ge [sflag:s9], $0x6400  }
0x1b: {  	[sflag:s9] =	ssyncset.done $0x0  }
0x1c: {  	[sflag:s9] =	ssyncadd.s32 $0xFFFF9C00  }
0x1d: {  	[tilespmem:s19], [sflag:$0x1] =	stream.indirect.gather [hbm4b:s4+s18], $0x40, s3, s18, $0xb8;
	[tilespmem:$0x1A400] =	vst v63  }
0x1e: {  	_ = 	snop  }
0x1f: {  	[tilespmem:s20], [sflag:$0x2] =	stream.indirect.gather [hbm4b:s4+s18], $0x40, s18, s18, $0xb8;
	[tilespmem:$0x1A400] =	vst v63  }
0x20: {  	s10 =	simm.s32 $0x200  }
0x21: {  	[tilespmem:s22], [sflag:$0x3] =	stream.indirect.gather [hbm4b:s4+s18], $0x40, s10, s18, $0xb8;
	[tilespmem:$0x1A400] =	vst v63  }
0x22: {  	_ =	swait.ge [sflag:s23], $0x4000  }
0x23: {  	[sflag:s23] =	ssyncset.done $0x0  }
0x24: {  	s11 =	rddreg [dreg:$0x4];
	[sflag:s23] =	ssyncadd.s32 $0xFFFFC000  }
0x25: {  	[hbm4b:s11+s3] =	stream.linear.scatter [tilespmem:s19], [sflag:$0x6], $0x4000, $0x38;
	[tilespmem:$0x1A400] =	vst v63  }
0x26: {  	s12 =	simm.s32 $0x300  }
0x27: {  	[tilespmem:s25], [sflag:$0x4] =	stream.indirect.gather [hbm4b:s4+s18], $0x40, s12, s18, $0xb8;
	[tilespmem:$0x1A400] =	vst v63  }
0x28: {  	_ =	swait.ge [sflag:s26], $0x4000  }
0x29: {  	[sflag:s26] =	ssyncset.done $0x0  }
0x2a: {  	s13 =	rddreg [dreg:$0x5];
	[sflag:s26] =	ssyncadd.s32 $0xFFFFC000  }
0x2b: {  	[hbm4b:s13+s3] =	stream.linear.scatter [tilespmem:s20], [sflag:$0x7], $0x4000, $0x38;
	[tilespmem:$0x1A400] =	vst v63  }
0x2c: {  	s17 =	simm.s32 $0x400  }
0x2d: {  	[tilespmem:s29], [sflag:$0x5] =	stream.indirect.gather [hbm4b:s4+s18], $0x40, s17, s18, $0xb8;
	[tilespmem:$0x1A400] =	vst v63  }
0x2e: {  	_ =	swait.ge [sflag:s30], $0x4000  }
0x2f: {  	[sflag:s30] =	ssyncset.done $0x0  }
0x30: {  	[sflag:s30] =	ssyncadd.s32 $0xFFFFC000  }
0x31: {  	[hbm4b:s14+s3] =	stream.linear.scatter [tilespmem:s22], [sflag:$0x8], $0x4000, $0x38;
	[tilespmem:$0x1A400] =	vst v63  }
0x32: {  	_ =	swait.ge [sflag:s31], $0x4000  }
0x33: {  	[sflag:s31] =	ssyncset.done $0x0  }
0x34: {  	s8 =	simm.s32 $0x500;
	[sflag:s31] =	ssyncadd.s32 $0xFFFFC000  }
0x35: {  	[tilespmem:s19], [sflag:$0x1] =	stream.indirect.gather [hbm4b:s4+s18], $0x40, s8, s18, $0xb8;
	[tilespmem:$0x1A400] =	vst v63  }
0x36: {  	_ =	swait.ge [sflag:s1], $0x4000  }
0x37: {  	[sflag:s1] =	ssyncset.done $0x0  }
0x38: {  	s11 =	rddreg [dreg:$0xb];
	[sflag:s1] =	ssyncadd.s32 $0xFFFFC000  }
0x39: {  	[hbm4b:s11+s3] =	stream.linear.scatter [tilespmem:s25], [sflag:$0x9], $0x4000, $0x38;
	[tilespmem:$0x1A400] =	vst v63  }
0x3a: {  	_ =	swait.ge [sflag:s0], $0x4000  }
0x3b: {  	[sflag:s0] =	ssyncset.done $0x0  }
0x3c: {  	s9 =	simm.s32 $0x600;
	[sflag:s0] =	ssyncadd.s32 $0xFFFFC000  }
0x3d: {  	[tilespmem:s20], [sflag:$0x2] =	stream.indirect.gather [hbm4b:s4+s18], $0x40, s9, s18, $0xb8;
	[tilespmem:$0x1A400] =	vst v63  }
0x3e: {  	_ =	swait.ge [sflag:s21], $0x4000  }
0x3f: {  	[sflag:s21] =	ssyncset.done $0x0  }
0x40: {  	s13 =	rddreg [dreg:$0xa];
	[sflag:s21] =	ssyncadd.s32 $0xFFFFC000  }
0x41: {  	[hbm4b:s13+s3] =	stream.linear.scatter [tilespmem:s29], [sflag:$0xA], $0x4000, $0x38;
	[tilespmem:$0x1A400] =	vst v63  }
0x42: {  	_ =	swait.ge [sflag:s24], $0x4000  }
0x43: {  	[sflag:s24] =	ssyncset.done $0x0  }
0x44: {  	s10 =	simm.s32 $0x700;
	[sflag:s24] =	ssyncadd.s32 $0xFFFFC000  }
0x45: {  	[tilespmem:s22], [sflag:$0x3] =	stream.indirect.gather [hbm4b:s4+s18], $0x40, s10, s18, $0xb8;
	[tilespmem:$0x1A400] =	vst v63  }
0x46: {  	_ =	swait.ge [sflag:s23], $0x4000  }
0x47: {  	s12 =	sshrl.u32 s16, $0x3;
	[sflag:s23] =	ssyncset.done $0x0  }
0x48: {  	s6 =	sadd.s32 s2, s12;
	[sflag:s23] =	ssyncadd.s32 $0xFFFFC000  }
0x49: {  	[hbm4b:s6+s3] =	stream.linear.scatter [tilespmem:s19], [sflag:$0x6], $0x4000, $0x38;
	[tilespmem:$0x1A400] =	vst v63  }
0x4a: {  	_ =	swait.ge [sflag:s28], $0x4000  }
0x4b: {  	[sflag:s28] =	ssyncset.done $0x0  }
0x4c: {  	s17 =	simm.s32 $0x800;
	[sflag:s28] =	ssyncadd.s32 $0xFFFFC000  }
0x4d: {  	[tilespmem:s25], [sflag:$0x4] =	stream.indirect.gather [hbm4b:s4+s18], $0x40, s17, s18, $0xb8;
	[tilespmem:$0x1A400] =	vst v63  }
0x4e: {  	_ =	swait.ge [sflag:s26], $0x4000  }
0x4f: {  	[sflag:s26] =	ssyncset.done $0x0  }
0x50: {  	s12 =	simm.s32 $0x900;
	[sflag:s26] =	ssyncadd.s32 $0xFFFFC000  }
0x51: {  	[hbm4b:s15+s3] =	stream.linear.scatter [tilespmem:s20], [sflag:$0x7], $0x4000, $0x38;
	[tilespmem:$0x1A400] =	vst v63  }
0x52: {  	s8 =	simm.s32 $0x1400;
	s11 =	sadd.s32 $0x2800, s11;
	_ =	swait.ge [sflag:s5], $0x4000  }
0x53: {  	s9 =	sadd.s32 $0x2800, s15;
	s10 =	sadd.s32 $0x14000, s16;
	[sflag:s5] =	ssyncset.done $0x0  }
0x54: {  	s6 =	sadd.s32 $0x2800, s14;
	s17 =	sadd.s32 $0x2800, s13;
	[sflag:s5] =	ssyncadd.s32 $0xFFFFC000  }
.LBB2_2:
0x55: {  	[tilespmem:s29], [sflag:$0x5] =	stream.indirect.gather [hbm4b:s4+s18], $0x40, s12, s18, $0xb8;
	[tilespmem:$0x1A400] =	vst v63  }
0x56: {  	s12 =	smov.u32 s8  }
0x57: {  	p0 =	sne.s32 s8, $0x16800;
	s8 =	sadd.s32 $0x1400, s8;
	_ =	swait.ge [sflag:s30], $0x4000  }
0x58: {  	[sflag:s30] =	ssyncset.done $0x0  }
0x59: {  	[sflag:s30] =	ssyncadd.s32 $0xFFFFC000  }
0x5a: {  	[hbm4b:s6+s3] =	stream.linear.scatter [tilespmem:s22], [sflag:$0x8], $0x4000, $0x38;
	[tilespmem:$0x1A400] =	vst v63  }
0x5b: {  	_ =	swait.ge [sflag:s31], $0x4000  }
0x5c: {  	s12 =	sshra.s32 s12, $0x2;
	[sflag:s31] =	ssyncset.done $0x0  }
0x5d: {  	s13 =	sadd.s32 $0x500, s12;
	[sflag:s31] =	ssyncadd.s32 $0xFFFFC000  }
0x5e: {  	[tilespmem:s19], [sflag:$0x1] =	stream.indirect.gather [hbm4b:s4+s18], $0x40, s13, s18, $0xb8;
	[tilespmem:$0x1A400] =	vst v63  }
0x5f: {  	_ =	swait.ge [sflag:s1], $0x4000  }
0x60: {  	[sflag:s1] =	ssyncset.done $0x0  }
0x61: {  	[sflag:s1] =	ssyncadd.s32 $0xFFFFC000  }
0x62: {  	[hbm4b:s11+s3] =	stream.linear.scatter [tilespmem:s25], [sflag:$0x9], $0x4000, $0x38;
	[tilespmem:$0x1A400] =	vst v63  }
0x63: {  	_ =	swait.ge [sflag:s0], $0x4000  }
0x64: {  	[sflag:s0] =	ssyncset.done $0x0  }
0x65: {  	s13 =	sadd.s32 $0x600, s12;
	[sflag:s0] =	ssyncadd.s32 $0xFFFFC000  }
0x66: {  	[tilespmem:s20], [sflag:$0x2] =	stream.indirect.gather [hbm4b:s4+s18], $0x40, s13, s18, $0xb8;
	[tilespmem:$0x1A400] =	vst v63  }
0x67: {  	_ =	swait.ge [sflag:s21], $0x4000  }
0x68: {  	[sflag:s21] =	ssyncset.done $0x0  }
0x69: {  	[sflag:s21] =	ssyncadd.s32 $0xFFFFC000  }
0x6a: {  	[hbm4b:s17+s3] =	stream.linear.scatter [tilespmem:s29], [sflag:$0xA], $0x4000, $0x38;
	[tilespmem:$0x1A400] =	vst v63  }
0x6b: {  	_ =	swait.ge [sflag:s24], $0x4000  }
0x6c: {  	[sflag:s24] =	ssyncset.done $0x0  }
0x6d: {  	s13 =	sadd.s32 $0x700, s12;
	[sflag:s24] =	ssyncadd.s32 $0xFFFFC000  }
0x6e: {  	[tilespmem:s22], [sflag:$0x3] =	stream.indirect.gather [hbm4b:s4+s18], $0x40, s13, s18, $0xb8;
	[tilespmem:$0x1A400] =	vst v63  }
0x6f: {  	_ =	swait.ge [sflag:s23], $0x4000  }
0x70: {  	s13 =	sshrl.u32 s10, $0x3;
	[sflag:s23] =	ssyncset.done $0x0  }
0x71: {  	s13 =	sadd.s32 s2, s13;
	[sflag:s23] =	ssyncadd.s32 $0xFFFFC000  }
0x72: {  	[hbm4b:s13+s3] =	stream.linear.scatter [tilespmem:s19], [sflag:$0x6], $0x4000, $0x38;
	[tilespmem:$0x1A400] =	vst v63  }
0x73: {  	_ =	swait.ge [sflag:s28], $0x4000  }
0x74: {  	[sflag:s28] =	ssyncset.done $0x0  }
0x75: {  	s13 =	sadd.s32 $0x800, s12;
	[sflag:s28] =	ssyncadd.s32 $0xFFFFC000  }
0x76: {  	[tilespmem:s25], [sflag:$0x4] =	stream.indirect.gather [hbm4b:s4+s18], $0x40, s13, s18, $0xb8;
	[tilespmem:$0x1A400] =	vst v63  }
0x77: {  	_ =	swait.ge [sflag:s26], $0x4000  }
0x78: {  	[sflag:s26] =	ssyncset.done $0x0  }
.Ltmp0:
0x79: {  	[sflag:s26] =	ssyncadd.s32 $0xFFFFC000;
	(pc) =	sbr.rel @p0 .LBB2_2-.Ltmp0, $4  }
0x7a: {  	[hbm4b:s9+s3] =	stream.linear.scatter [tilespmem:s20], [sflag:$0x7], $0x4000, $0x38;
	[tilespmem:$0x1A400] =	vst v63  }
0x7b: {  	s10 =	sadd.s32 $0x14000, s10;
	s9 =	sadd.s32 $0x2800, s9;
	_ =	swait.ge [sflag:s5], $0x4000  }
0x7c: {  	s6 =	sadd.s32 $0x2800, s6;
	s11 =	sadd.s32 $0x2800, s11;
	[sflag:s5] =	ssyncset.done $0x0  }
0x7d: {  	s17 =	sadd.s32 $0x2800, s17;
	s12 =	sadd.s32 $0x900, s12;
	[sflag:s5] =	ssyncadd.s32 $0xFFFFC000  }
0x7e: {  	[tilespmem:s29], [sflag:$0x5] =	stream.indirect.gather [hbm4b:s4+s18], $0x40, s12, s18, $0xb8;
	[tilespmem:$0x1A400] =	vst v63  }
0x7f: {  	_ =	swait.ge [sflag:s30], $0x4000  }
0x80: {  	[sflag:s30] =	ssyncset.done $0x0  }
0x81: {  	s6 =	rddreg [dreg:$0x6];
	[sflag:s30] =	ssyncadd.s32 $0xFFFFC000  }
0x82: {  	[hbm4b:s6+s3] =	stream.linear.scatter [tilespmem:s22], [sflag:$0x8], $0x4000, $0x38;
	[tilespmem:$0x1A400] =	vst v63  }
0x83: {  	_ =	swait.ge [sflag:s31], $0x4000  }
0x84: {  	[sflag:s31] =	ssyncset.done $0x0  }
0x85: {  	[sflag:s31] =	ssyncadd.s32 $0xFFFFC000  }
0x86: {  	_ =	swait.ge [sflag:s1], $0x4000  }
0x87: {  	[sflag:s1] =	ssyncset.done $0x0  }
0x88: {  	s12 =	rddreg [dreg:$0x7];
	[sflag:s1] =	ssyncadd.s32 $0xFFFFC000  }
0x89: {  	[hbm4b:s12+s3] =	stream.linear.scatter [tilespmem:s25], [sflag:$0x9], $0x4000, $0x38;
	[tilespmem:$0x1A400] =	vst v63  }
0x8a: {  	_ =	swait.ge [sflag:s0], $0x4000  }
0x8b: {  	[sflag:s0] =	ssyncset.done $0x0  }
0x8c: {  	[sflag:s0] =	ssyncadd.s32 $0xFFFFC000  }
0x8d: {  	_ =	swait.ge [sflag:s21], $0x4000  }
0x8e: {  	[sflag:s21] =	ssyncset.done $0x0  }
0x8f: {  	s13 =	rddreg [dreg:$0x8];
	[sflag:s21] =	ssyncadd.s32 $0xFFFFC000  }
0x90: {  	[hbm4b:s13+s3] =	stream.linear.scatter [tilespmem:s29], [sflag:$0xA], $0x4000, $0x38;
	[tilespmem:$0x1A400] =	vst v63  }
0x91: {  	_ =	swait.ge [sflag:s24], $0x4000  }
0x92: {  	[sflag:s24] =	ssyncset.done $0x0  }
0x93: {  	[sflag:s24] =	ssyncadd.s32 $0xFFFFC000  }
0x94: {  	_ =	swait.ge [sflag:s28], $0x4000  }
0x95: {  	[sflag:s28] =	ssyncset.done $0x0  }
0x96: {  	[sflag:s28] =	ssyncadd.s32 $0xFFFFC000  }
0x97: {  	_ =	swait.ge [sflag:s5], $0x4000  }
0x98: {  	s7 =	sadd.s32 $0x1, s7;
	s17 =	rddreg [dreg:$0x9]  }
0x99: {  	p0 =	sne.s32 s7, s17  }
.Ltmp1:
0x9a: {  	_ = 	snop;
	(pc) =	sbr.rel @p0 .LBB2_1-.Ltmp1, $3  }
0x9b: {  	_ =	sdelay $0x1  }
0x9c: {  	[sflag:s5] =	ssyncset.done $0x0  }
0x9d: {  	[sflag:s5] =	ssyncadd.s32 $0xFFFFC000  }
0x9e: {  	_ =	sfence.sel $0x180000  }
0x9f: {  	[bflag:$0x0] =	sbarrier.arrive $0xFFFF  }
0xa0: {  	_ =	strace $0x90000047  }
0xa1: {  	s0 =	stileid.u32;
	[bflag:$0x2] =	sbarrier.arrive $0xFFFF  }
0xa2: {  	p0 =	sne.s32 s0, $0x0;
	s0 =	rddreg [dreg:$0x2]  }
0xa3: {  	s0 =	sadd.s32 @!p0 $0x100000, s0  }
0xa4: {  	[sflag:s0] =	ssyncadd.tile.s32 @!p0 $0x1;
	_ =	shalt  }
.Lfunc_end2:
_tile_overlayer_lowered:
.L_overlay_start_2:
0xa5: {  	(tag) =	ssettag $0x2  }
0xa6: {  	s0 =	rddreg [dreg:$0x0];
	s2 =	stileid.u32  }
0xa7: {  	s1 =	rddreg [dreg:$0x1];
	p0 =	sne.s32 s2, $0x0  }
0xa8: {  	s3 =	rddreg [dreg:$0x2];
	[bflag:$0x3] =	sbarrier.arrive $0xFFFF;
	s2 =	simm.s32 @!p0 $0x1C0B  }
0xa9: {  	[timem:s3], [sflag:s2] =	dma.local @!p0 [hbm:s0], s1  }
0xaa: {  	s0 =	simm.s32 @!p0 $0xB  }
0xab: {  	_ =	swait.ge @!p0 [sflag:s0], s1  }
0xac: {  	s1 =	ssub.s32 @!p0 $0x0, s1;
	[sflag:s0] =	ssyncset.done @!p0 $0x0  }
0xad: {  	[sflag:s0] =	ssyncadd.s32 @!p0 s1  }
0xae: {  	[bflag:$0x3] =	sbarrier.arrive $0xFFFF  }
0xaf: {  	_ =	shalt  }

// kernel: sparse-core-data-format-call.cloned.1.call-start
scs
called_computation_lowered:
.L_overlay_start_0:
0x0: {  	s2 =	sld [smem:$0x3FD9]  }
0x1: {  	s3 =	sld [smem:$0x3FFE];
	_ =	sdelay $0x1  }
0x2: {  	s1 =	srdreg.scid  }
0x3: {  	s0 =	sand.u32 $0x1, s1  }
0x4: {  	s18 =	sshll.u32 s0, $0xA;
	s2 =	sadd.s32 s3, s2  }
0x5: {  	s2 =	sadd.s32 s2, s18  }
0x6: {  	[smem:$0x3FC6] =	sst s2  }
0x7: {  	_ = 	snop  }
0x8: {  	s2 =	sld [smem:$0x3FD0];
	(tm) =	ssettm $0x1  }
0x9: {  	s19 =	sld [smem:$0x3FFB];
	_ =	sdelay $0x3  }
0xa: {  	_ =	strace s19  }
0xb: {  	s3 =	sld [smem:$0x3FFC];
	_ =	sdelay $0x3  }
0xc: {  	_ =	strace s3  }
0xd: {  	s3 =	sld [smem:$0x3FFD];
	_ =	sdelay $0x3  }
0xe: {  	_ =	strace s3  }
0xf: {  	_ =	strace $0x8FFFFFFF  }
0x10: {  	s20 =	sld [smem:$0x3FDB];
	_ =	sdelay $0x1  }
0x11: {  	s4 =	simm.s32 $_scs_section_size  }
0x12: {  	s5 =	simm.s32 $_size__tile_overlayer_lowered;
	s6 =	simm.s32 $_tile_overlayer_lowered  }
0x13: {  	s23 =	simm.s32 $0x1BFF;
	s22 =	sshll.u32 s6, $0x1;
	s3 =	sadd.s32 s4, s20  }
0x14: {  	s7 =	simm.s32 $0x0;
	s21 =	sshll.u32 s5, $0x1;
	s5 =	sadd.s32 s22, s3  }
0x15: {  	[timem:s7], [sflag:s23] =	dma.local [hbm:s5], s21  }
0x16: {  	_ =	swait.ge [sflag:s23], s21  }
0x17: {  	s4 =	ssub.s32 $0x0, s21;
	[sflag:s23] =	ssyncset.done $0x0  }
0x18: {  	[sflag:s23] =	ssyncadd.s32 s4;
	_ =	sdelay $0x1  }
0x19: {  	s24 =	simm.s32 $0x1B8B  }
0x1a: {  	_ =	swait.ge [sflag:s24], $0x1  }
0x1b: {  	[sflag:s24] =	ssyncset.done $0x0  }
0x1c: {  	s26 =	simm.s32 $0x1B8E;
	s25 =	sld [smem:$0x3FFE];
	[sflag:s24] =	ssyncadd.s32 $0xFFFFFFFF  }
0x1d: {  	s27 =	simm.s32 $execute0_lowered;
	[smem:$0x3FD2] =	sst s26  }
0x1e: {  	s5 =	sshll.u32 s27, $0x1;
	_ =	strace $0x80000049;
	[dreg:$0x1] =	wrdreg $0xFFFFFFFF  }
0x1f: {  	s28 =	simm.s32 $_size_execute0_lowered;
	s3 =	sadd.s32 s3, s5;
	[dreg:$0x0] =	wrdreg $0x0  }
0x20: {  	s5 =	sshll.u32 s28, $0x1;
	[dreg:$0x2] =	wrdreg s3  }
0x21: {  	[dreg:$0x3] =	wrdreg s5  }
0x22: {  	[dreg:$0x4] =	wrdreg $0xC0  }
0x23: {  	_ =	task [dreg:s7], $0x5FFFF  }
0x24: {  	[dreg:$0x1] =	wrdreg $0xFFFFFFFF  }
0x25: {  	[dreg:$0x0] =	wrdreg $0x60  }
0x26: {  	[dreg:$0x2] =	wrdreg s25  }
0x27: {  	[dreg:$0x3] =	wrdreg s2  }
0x28: {  	[dreg:$0x4] =	wrdreg $0x9  }
0x29: {  	_ =	task.clear_ibuf [dreg:s7], $0x5FFFF;
	_ =	strace $0x90000049  }
0x2a: {  	s29 =	simm.s32 $0x9;
	_ =	strace $0x8000004B  }
0x2b: {  	_ =	swait.ge [sflag:s29], $0x1  }
0x2c: {  	[sflag:s29] =	ssyncadd.s32 $0xFFFFFFFF  }
0x2d: {  	_ =	strace $0x9000004B  }
0x2e: {  	_ =	sfence  }
0x2f: {  	s30 =	sld [smem:$0x0];
	_ =	sdelay $0x2  }
0x30: {  	s31 =	sshll.u32 s1, $0xD;
	s1 =	sshrl.u32 s1, $0x2  }
0x31: {  	s3 =	sand.u32 $0x4000, s31;
	s1 =	sadd.s32 s1, s30  }
0x32: {  	s0 =	sor.u32 s3, s0;
	s1 =	sshll.u32 s1, $0x11  }
0x33: {  	s0 =	sor.u32 s1, s0  }
0x34: {  	s0 =	sadd.s32 $0x8F2B, s0  }
0x35: {  	[sflag:s0] =	ssyncadd.remote.s32 $0x1  }
0x36: {  	_ =	sfence.sel $0xFFFF  }
0x37: {  	[dreg:$0x0] =	wrdreg $0xFFFFFFFF;
	(pc) =	sbr.abs _section_cstart, $3  }
0x38: {  	[dreg:$0x1] =	wrdreg $0xFFFFFFFF  }
0x39: {  	_ =	task.clear_ibuf [dreg:s7], $0x2FFFF;
	_ =	strace $0x9FFFFFFF  }
0x3a: {  	(tm) =	ssettm $0x7FFFFFFF  }
0x3b: {  	_ =	shalt  }
tec
execute0_lowered:
.L_overlay_start_1:
0x0: {  	(tag) =	ssettag $0x1  }
0x1: {  	s6 =	rddreg [dreg:$0x0]  }
0x2: {  	s2 =	rddreg [dreg:$0x1]  }
0x3: {  	s0 =	rddreg [dreg:$0x2];
	_ =	strace $0x8000004A  }
0x4: {  	s3 =	srdreg.scid;
	s1 =	stileid.u32;
	s7 =	simm.s32 $0x2  }
0x5: {  	s12 =	simm.s32 $0x0;
	p0 =	por $0x0, $0x0;
	s13 =	simm.s32 $0x0  }
.Ltmp0:
0x6: {  	s14 =	simm.s32 $0x0;
	s9 =	simm.s32 $0x0;
	(pc) =	sbr.rel .LBB1_1-.Ltmp0, $4  }
0x7: {  	s10 =	simm.s32 $0x0;
	s4 =	sshll.u32 s3, $0x4;
	s3 =	simm.s32 $0x1  }
0x8: {  	s8 =	simm.s32 $0x0;
	s5 =	sand.u32 $0x10, s4;
	[sflag:s3] =	ssyncpa.u1 $0x0  }
0x9: {  	s4 =	sadd.s32 $0xA00, s6;
	s6 =	sadd.s32 $0x1A00, s6;
	s5 =	sor.u32 s1, s5  }
0xa: {  	[sflag:s7] =	ssyncpa.u1 $0x0;
	s7 =	simm.s32 $0x800;
	s11 =	smov.u32 s5  }
.LBB1_7:
0xb: {  	s15 =	sadd.s32 $0x80, s9  }
0xc: {  	s12 =	sadd.s32 $0x2, s10;
	s16 =	smov.u32 s10;
	p2 =	sgt.s32 s15, $0xFF  }
0xd: {  	s16 =	smov.u32 @p2 s12  }
0xe: {  	s18 =	smov.u32 s11;
	s12 =	sadd.s32 $0x20, s11;
	p3 =	sgt.s32 s16, $0x63  }
0xf: {  	p1 =	slt.u32 s8, $0x2;
	s18 =	smov.u32 @p3 s12  }
0x10: {  	s8 =	sadd.s32 $0x1, s8;
	s15 =	simm.s32 @p2 $0x0;
	p2 =	sgt.s32 s18, $0x1F  }
0x11: {  	s18 =	smov.u32 @p2 s5;
	p2 =	sne.s32 s8, $0x66  }
.Ltmp1:
0x12: {  	s17 =	simm.s32 @!p1 $0x2;
	(pc) =	sbr.rel @!p2 .LBB1_8-.Ltmp1, $4  }
0x13: {  	s13 =	smov.u32 s10;
	_ =	swait.ge @!p1 [sflag:s17], $0x4000  }
0x14: {  	s14 =	smov.u32 s11;
	p0 =	por !p0, !p0;
	[sflag:s17] =	ssyncset.done @!p1 $0x0  }
0x15: {  	s16 =	simm.s32 @p3 $0x0;
	s12 =	smov.u32 s9;
	[sflag:s17] =	ssyncadd.s32 @!p1 $0xFFFFC000  }
0x16: {  	s9 =	smov.u32 s15;
	s10 =	smov.u32 s16;
	s11 =	smov.u32 s18  }
.LBB1_1:
0x17: {  	p1 =	sgt.u32 s8, $0x63  }
0x18: {  	s15 =	smul.u32 @!p1 $0x64000, s11;
	s16 =	sxor.u32 @!p1 $0xFFFFFFFF, s8  }
0x19: {  	s17 =	sshll.u32 @!p1 s10, $0xC;
	s19 =	sshll.u32 @!p1 s9, $0x4;
	s20 =	simm.s32 @!p1 $0x40  }
0x1a: {  	s21 =	simm.s32 @!p1 $0x80;
	s16 =	sshll.u32 @!p1 s16, $0xE;
	s18 =	sadd.s32 @!p1 s15, s17  }
0x1b: {  	s19 =	sand.u32 @!p1 $0xFF0, s19;
	s15 =	sadd.s32 @!p1 s15, s6;
	s18 =	sadd.s32 @!p1 s4, s18  }
0x1c: {  	s16 =	sand.u32 @!p1 $0x4000, s16;
	s15 =	sadd.s32 @!p1 s17, s15;
	s18 =	sadd.s32 @!p1 s19, s18  }
0x1d: {  	[tilespmem:s16], [sflag:$0x1] =	stream.strided.gather @!p1 [hbm4b:s18+s20], $0x2000, s21, s20, $0x38;
	[tilespmem:$0x10100] =	vst v63  }
0x1e: {  	s15 =	sadd.s32 @!p1 s19, s15;
	s16 =	sor.u32 @!p1 $0x2000, s16  }
0x1f: {  	[tilespmem:s16], [sflag:$0x1] =	stream.strided.gather @!p1 [hbm4b:s15+s20], $0x2000, s21, s20, $0x38;
	[tilespmem:$0x10100] =	vst v63  }
0x20: {  	p1 =	seq.s32 s8, $0x0  }
0x21: {  	p2 =	seq.s32 @!p1 s8, $0x65  }
0x22: {  	p1 =	por p1, p2  }
.Ltmp2:
0x23: {  	_ = 	snop;
	(pc) =	sbr.rel @p1 .LBB1_7-.Ltmp2, $1  }
0x24: {  	_ =	sdelay $0x3  }
0x25: {  	s15 =	simm.s32 $0x1;
	s17 =	sand.u32 $0x1, s8  }
0x26: {  	_ =	swait.ge [sflag:s3], $0x4000;
	s15 =	simm.s32 @!p0 $0x0;
	s17 =	smul.u32 $0x10200, s17  }
0x27: {  	p2 =	por $0x1, $0x1;
	[sflag:s3] =	ssyncset.done $0x0;
	s16 =	smul.u32 $0x10200, s15  }
0x28: {  	s18 =	sshll.u32 s15, $0x10;
	[sflag:s3] =	ssyncadd.s32 $0xFFFFC000;
	s30 =	sshrl.u32 s17, $0x2  }
0x29: {  	s31 =	sshrl.u32 s18, $0x2;
	s18 =	simm.s32 $0x0;
	s16 =	sshrl.u32 s16, $0x2  }
0x2a: {  	s15 =	sor.u32 $0x8000, s30;
	s17 =	sadd.s32 $0x20, s31;
	s16 =	sor.u32 $0x8000, s16  }
.LBB1_3:
0x2b: {  	s19 =	sshll.u32 s18, $0xD  }
0x2c: {  	s19 =	sand.u32 $0x3FFFE000, s19  }
0x2d: {  	s21 =	sadd.s32 s19, s17  }
0x2e: {  	s31 =	smul.u32 $0x8100, s18;
	v3 =	vld [tilespmem:s21+$0x10]  }
0x2f: {  	v1 =	vld [tilespmem:s21+$0xFFFFFFF0]  }
0x30: {  	s18 =	sshra.s32 s31, $0x2;
	v0 =	vld [tilespmem:s21+$0x0]  }
0x31: {  	s18 =	sadd.s32 s18, s16;
	v2 =	vld [tilespmem:s21+$0xFFFFFFE0]  }
0x32: {  	s19 =	sadd.s32 $0x0, s18  }
0x33: {  	p1 =	por p2, p2;
	s20 =	simm.s32 $0x4;
	s21 =	sadd.s32 $0x40, s21;
	[tilespmem:s19+$0x1830 ss:$0x81] =	vst.msk $0xffff, v3  }
.LBB1_4:
0x34: {  	v3 =	vld [tilespmem:s21+$0x10];
	p2 =	sne.s32 s20, $0x1FC;
	[tilespmem:s19+$0x810 ss:$0x81] =	vst.msk $0xffff, v1;
	s22 =	smov.u32 s20;
	s20 =	sadd.s32 $0x4, s20  }
.Ltmp3:
0x35: {  	v1 =	vld [tilespmem:s21+$0xFFFFFFF0];
	[tilespmem:s19+$0x1020 ss:$0x81] =	vst.msk $0xffff, v0;
	(pc) =	sbr.rel @p2 .LBB1_4-.Ltmp3, $4  }
0x36: {  	v0 =	vld [tilespmem:s21+$0x0];
	[tilespmem:s19+$0x0 ss:$0x81] =	vst.msk $0xffff, v2  }
0x37: {  	s19 =	sshra.s32 s22, $0x2;
	v2 =	vld [tilespmem:s21+$0xFFFFFFE0]  }
0x38: {  	s19 =	sadd.s32 s19, s18  }
0x39: {  	s21 =	sadd.s32 $0x40, s21;
	[tilespmem:s19+$0x1830 ss:$0x81] =	vst.msk $0xffff, v3  }
.Ltmp4:
0x3a: {  	(pc) =	sbr.rel @p1 .LBB1_3-.Ltmp4, $4  }
0x3b: {  	_ = 	snop  }
0x3c: {  	[tilespmem:s19+$0x810 ss:$0x81] =	vst.msk $0xffff, v1  }
0x3d: {  	[tilespmem:s19+$0x1020 ss:$0x81] =	vst.msk $0xffff, v0  }
0x3e: {  	s18 =	simm.s32 $0x1;
	p2 =	por $0x0, $0x0;
	[tilespmem:s19+$0x0 ss:$0x81] =	vst.msk $0xffff, v2  }
0x3f: {  	s14 =	smul.u32 $0x32000, s14  }
0x40: {  	s16 =	sand.u32 $0x780, s12  }
.Ltmp5:
0x41: {  	s13 =	sshll.u32 s13, $0xB;
	s14 =	sadd.s32 s2, s14;
	(pc) =	sbr.rel .LBB1_7-.Ltmp5, $4  }
0x42: {  	s17 =	sshrl.u32 s12, $0x3;
	s30 =	sand.u32 $0x7, s12;
	s13 =	sadd.s32 s13, s14  }
0x43: {  	s31 =	sand.u32 $0xF, s17;
	s12 =	sshll.u32 s30, $0x12;
	s13 =	sadd.s32 s16, s13  }
0x44: {  	s12 =	sor.u32 $0x400, s12;
	s13 =	sadd.s32 s31, s13  }
0x45: {  	[hbm4b:s13+s12] =	stream.strided.scatter [tilespmem:s15], [sflag:$0x2], $0x4000, s7, s12, $0x20;
	[tilespmem:$0x10100] =	vst v63  }
.LBB1_8:
0x46: {  	_ =	sfence.sel $0x180000  }
0x47: {  	s2 =	simm.s32 $0x1;
	[bflag:$0x0] =	sbarrier.arrive $0xFFFF  }
0x48: {  	s31 =	simm.s32 $0x2;
	[sflag:s2] =	ssyncpa.u1 $0x1  }
0x49: {  	[sflag:s31] =	ssyncpa.u1 $0x1  }
0x4a: {  	p0 =	sne.s32 s1, $0x0;
	_ =	strace $0x9000004A  }
0x4b: {  	s0 =	sadd.s32 @!p0 $0x100000, s0;
	[bflag:$0x2] =	sbarrier.arrive $0xFFFF  }
0x4c: {  	[sflag:s0] =	ssyncadd.tile.s32 @!p0 $0x1;
	_ =	shalt  }
.Lfunc_end1:
_tile_overlayer_lowered:
.L_overlay_start_2:
0x4d: {  	(tag) =	ssettag $0x2  }
0x4e: {  	s0 =	rddreg [dreg:$0x0];
	s2 =	stileid.u32  }
0x4f: {  	s1 =	rddreg [dreg:$0x1];
	p0 =	sne.s32 s2, $0x0  }
0x50: {  	s3 =	rddreg [dreg:$0x2];
	[bflag:$0x3] =	sbarrier.arrive $0xFFFF;
	s2 =	simm.s32 @!p0 $0x1C01  }
0x51: {  	[timem:s3], [sflag:s2] =	dma.local @!p0 [hbm:s0], s1  }
0x52: {  	s0 =	simm.s32 @!p0 $0x1  }
0x53: {  	_ =	swait.ge @!p0 [sflag:s0], s1  }
0x54: {  	s1 =	ssub.s32 @!p0 $0x0, s1;
	[sflag:s0] =	ssyncset.done @!p0 $0x0  }
0x55: {  	[sflag:s0] =	ssyncadd.s32 @!p0 s1  }
0x56: {  	[bflag:$0x3] =	sbarrier.arrive $0xFFFF  }
0x57: {  	_ =	shalt  }

</sc_bundles>
